<compile_context>
chip_gen: v7x
topology: tpu7x:2x2x1
jax: 0.10.2.dev20260603
libtpu: 0.0.44.dev20260713+nightly
codegen_flags: <defaults>
</compile_context>

<pallas_src>
import jax
import jax.numpy as jnp
from jax import lax
from jax.experimental import pallas as pl
from jax.experimental.pallas import tpu as pltpu

B = 1024
D = 2048
H = 4096
N = 10000
TOPK = 50
NBLK = 512
NB = 20
NPAD = NB * NBLK

_NN = (((1,), (0,)), ((), ()))
_NT = (((1,), (1,)), ((), ()))


def _mlp1_body(q_ref, w_ref, b_ref, o_ref):
    acc = lax.dot_general(q_ref[...], w_ref[...], _NN,
                          preferred_element_type=jnp.float32)
    o_ref[...] = acc + b_ref[...]


def _mlp2_body(h_ref, w_ref, b_ref, o_ref):
    acc = lax.dot_general(h_ref[...], w_ref[...], _NN,
                          preferred_element_type=jnp.float32)
    o_ref[...] = acc + b_ref[...]


def _logits_body(q_ref, s_ref, gate_ref, vt_ref, bias_ref, o_ref, mx_ref):
    j = pl.program_id(0)
    sims = lax.dot_general(q_ref[...], s_ref[...], _NT,
                           preferred_element_type=jnp.float32)
    vt = vt_ref[...]
    vb = jnp.where(vt == 0, bias_ref[0],
         jnp.where(vt == 1, bias_ref[1],
         jnp.where(vt == 2, bias_ref[2],
         jnp.where(vt == 3, bias_ref[3], bias_ref[4]))))
    x = (sims * gate_ref[...] + vb) / 0.5
    col = j * NBLK + lax.broadcasted_iota(jnp.int32, (1, NBLK), 1)
    xm = jnp.where(col < N, x, -jnp.inf)
    bm = jnp.max(xm, axis=1, keepdims=True)

    @pl.when(j == 0)
    def _():
        mx_ref[...] = jnp.full_like(mx_ref[...], -jnp.inf)

    mx_ref[:, 0:1] = jnp.maximum(mx_ref[:, 0:1], bm)
    o_ref[...] = x


def _exp_body(x_ref, mx_ref, e_ref, s_ref):
    j = pl.program_id(0)
    m = mx_ref[:, 0:1]
    col = j * NBLK + lax.broadcasted_iota(jnp.int32, (1, NBLK), 1)
    e = jnp.where(col < N, jnp.exp(x_ref[...] - m), 0.0)
    e_ref[...] = e

    @pl.when(j == 0)
    def _():
        s_ref[...] = jnp.zeros_like(s_ref[...])

    s_ref[:, 0:1] = s_ref[:, 0:1] + jnp.sum(e, axis=1, keepdims=True)


def _div_body(e_ref, s_ref, o_ref):
    j = pl.program_id(0)
    col = j * NBLK + lax.broadcasted_iota(jnp.int32, (1, NBLK), 1)
    o_ref[...] = jnp.where(col < N, e_ref[...] / s_ref[:, 0:1], -1.0)


TKROWS = 128


def _topk_body(w_ref, o_ref, scr_ref):
    scr_ref[...] = w_ref[...]
    col = lax.broadcasted_iota(jnp.int32, (TKROWS, NPAD), 1)
    lane = lax.broadcasted_iota(jnp.int32, (TKROWS, 64), 1)

    def step(k, idxs):
        wv = scr_ref[...]
        m = jnp.max(wv, axis=1, keepdims=True)
        cand = jnp.where(wv == m, col, jnp.int32(2 ** 30))
        ik = jnp.min(cand, axis=1, keepdims=True)
        idxs = jnp.where(lane == k, ik, idxs)
        scr_ref[...] = jnp.where(col == ik, -2.0, wv)
        return idxs

    idxs = lax.fori_loop(
        0, TOPK, step, jnp.zeros((TKROWS, 64), jnp.int32))
    o_ref[...] = idxs


def _gather_body(idx_ref, src_ref, o_ref):
    o_ref[...] = src_ref[...]


def kernel(query_vec, seed_memory, karma_scores, vritti_bias, W1, b1, W2, b2,
           vritti_types):
    gate2d = jax.nn.sigmoid((karma_scores + 0.3) * 10.0).reshape(1, N)
    vt2d = vritti_types.reshape(1, N)
    b1_2d = b1.reshape(1, H)
    b2_2d = b2.reshape(1, D)

    h = pl.pallas_call(
        _mlp1_body,
        grid=(H // 512,),
        in_specs=[
            pl.BlockSpec((B, D), lambda j: (0, 0)),
            pl.BlockSpec((D, 512), lambda j: (0, j)),
            pl.BlockSpec((1, 512), lambda j: (0, j)),
        ],
        out_specs=pl.BlockSpec((B, 512), lambda j: (0, j)),
        out_shape=jax.ShapeDtypeStruct((B, H), jnp.float32),
    )(query_vec, W1, b1_2d)

    h = jax.nn.gelu(h, approximate=False)

    qe = pl.pallas_call(
        _mlp2_body,
        grid=(B // 256, D // 512),
        in_specs=[
            pl.BlockSpec((256, H), lambda i, j: (i, 0)),
            pl.BlockSpec((H, 512), lambda i, j: (0, j)),
            pl.BlockSpec((1, 512), lambda i, j: (0, j)),
        ],
        out_specs=pl.BlockSpec((256, 512), lambda i, j: (i, j)),
        out_shape=jax.ShapeDtypeStruct((B, D), jnp.float32),
    )(h, W2, b2_2d)

    logits, mx = pl.pallas_call(
        _logits_body,
        grid=(NB,),
        in_specs=[
            pl.BlockSpec((B, D), lambda j: (0, 0)),
            pl.BlockSpec((NBLK, D), lambda j: (j, 0)),
            pl.BlockSpec((1, NBLK), lambda j: (0, j)),
            pl.BlockSpec((1, NBLK), lambda j: (0, j)),
            pl.BlockSpec(memory_space=pltpu.SMEM),
        ],
        out_specs=[
            pl.BlockSpec((B, NBLK), lambda j: (0, j)),
            pl.BlockSpec((B, 128), lambda j: (0, 0)),
        ],
        out_shape=[
            jax.ShapeDtypeStruct((B, NPAD), jnp.float32),
            jax.ShapeDtypeStruct((B, 128), jnp.float32),
        ],
    )(qe, seed_memory, gate2d, vt2d, vritti_bias)

    e, s = pl.pallas_call(
        _exp_body,
        grid=(NB,),
        in_specs=[
            pl.BlockSpec((B, NBLK), lambda j: (0, j)),
            pl.BlockSpec((B, 128), lambda j: (0, 0)),
        ],
        out_specs=[
            pl.BlockSpec((B, NBLK), lambda j: (0, j)),
            pl.BlockSpec((B, 128), lambda j: (0, 0)),
        ],
        out_shape=[
            jax.ShapeDtypeStruct((B, NPAD), jnp.float32),
            jax.ShapeDtypeStruct((B, 128), jnp.float32),
        ],
    )(logits, mx)

    w = pl.pallas_call(
        _div_body,
        grid=(NB,),
        in_specs=[
            pl.BlockSpec((B, NBLK), lambda j: (0, j)),
            pl.BlockSpec((B, 128), lambda j: (0, 0)),
        ],
        out_specs=pl.BlockSpec((B, NBLK), lambda j: (0, j)),
        out_shape=jax.ShapeDtypeStruct((B, NPAD), jnp.float32),
    )(e, s)

    idx64 = pl.pallas_call(
        _topk_body,
        grid=(B // TKROWS,),
        in_specs=[pl.BlockSpec((TKROWS, NPAD), lambda i: (i, 0))],
        out_specs=pl.BlockSpec((TKROWS, 64), lambda i: (i, 0)),
        out_shape=jax.ShapeDtypeStruct((B, 64), jnp.int32),
        scratch_shapes=[pltpu.VMEM((TKROWS, NPAD), jnp.float32)],
    )(w)
    idx = idx64[:, :TOPK]

    seed3 = seed_memory.reshape(N, 1, D)
    flat_idx = idx.reshape(-1)
    chitta = pl.pallas_call(
        _gather_body,
        grid_spec=pltpu.PrefetchScalarGridSpec(
            num_scalar_prefetch=1,
            grid=(B * TOPK,),
            in_specs=[
                pl.BlockSpec((1, 1, D), lambda i, idx_ref: (idx_ref[i], 0, 0)),
            ],
            out_specs=pl.BlockSpec((1, 1, D), lambda i, idx_ref: (i, 0, 0)),
        ),
        out_shape=jax.ShapeDtypeStruct((B * TOPK, 1, D), jnp.float32),
    )(flat_idx, seed3)

    return (chitta.reshape(B, TOPK, D), w[:, :N], idx)

# --- scband reference (transcript-rebuilt; emitter-appended) ---
"""Pipeline reference for scband-chitta-encoder-34299608826313 (READ-ONLY COPY).

The authoritative reference and input builder live on the scoring server;
editing this copy changes nothing except your own understanding.
"""

import jax, jax.numpy as jnp
import numpy as np

N_SEEDS = 10000
D_MODEL = 2048
N_VRITTIS = 5
TOP_K = 50
RETRIEVAL_TEMP = 0.5
BATCH = 1024


def setup_inputs(seed: int = 0) -> dict:
    key = jax.random.key(seed)
    ks = jax.random.split(key, 8)
    query_vec = jax.random.normal(ks[0], (BATCH, D_MODEL), dtype=jnp.float32)
    vritti_types = jax.random.randint(ks[1], (N_SEEDS,), 0, N_VRITTIS, dtype=jnp.int32)
    seed_memory = jax.random.normal(ks[2], (N_SEEDS, D_MODEL), dtype=jnp.float32) * 0.02
    vritti_bias = jnp.array([0.15, 0.1, -0.05, 0.0, -1.0], dtype=jnp.float32)
    karma_scores = jnp.zeros((N_SEEDS,), dtype=jnp.float32)
    W1 = jax.random.normal(ks[3], (D_MODEL, 2 * D_MODEL), dtype=jnp.float32) * 0.02
    b1 = jnp.zeros((2 * D_MODEL,), dtype=jnp.float32)
    W2 = jax.random.normal(ks[4], (2 * D_MODEL, D_MODEL), dtype=jnp.float32) * 0.02
    b2 = jnp.zeros((D_MODEL,), dtype=jnp.float32)
    return {
        "query_vec": query_vec,
        "seed_memory": seed_memory,
        "karma_scores": karma_scores,
        "vritti_bias": vritti_bias,
        "W1": W1,
        "b1": b1,
        "W2": W2,
        "b2": b2,
        "vritti_types": vritti_types,
    }


def reference(query_vec, seed_memory, karma_scores, vritti_bias, W1, b1, W2, b2, vritti_types):
    # query_encoder: Linear(d, 2d) -> GELU -> Linear(2d, d)
    h = query_vec @ W1 + b1
    h = jax.nn.gelu(h, approximate=False)
    query_encoded = h @ W2 + b2
    # similarities against learned memory bank
    similarities = query_encoded @ seed_memory.T  # [B, N_SEEDS]
    # karma gating
    karma_gate = jax.nn.sigmoid((karma_scores + 0.3) * 10.0)
    similarities = similarities * karma_gate[None, :]
    # per-seed vritti bias (indices are per-seed types)
    vb = vritti_bias[vritti_types]  # [N_SEEDS]
    similarities = similarities + vb[None, :]
    attention_weights = jax.nn.softmax(similarities / RETRIEVAL_TEMP, axis=-1)
    topk_values, topk_indices = jax.lax.top_k(attention_weights, TOP_K)
    chitta_field = seed_memory[topk_indices]  # [B, TOP_K, D_MODEL]
    return (chitta_field, attention_weights, topk_indices)

if __name__ == "__main__":
    import jax
    _d = setup_inputs()
    print(jax.jit(kernel)(*tuple(_d.values())))

</pallas_src>

<mosaic_0001>
module attributes {stable_mosaic.version = 14 : i64} {
  func.func @_mlp1_body(%arg0: i32, %arg1: memref<1024x2048xf32, #tpu.memory_space<vmem>>, %arg2: memref<2048x512xf32, #tpu.memory_space<vmem>>, %arg3: memref<1x512xf32, #tpu.memory_space<vmem>>, %arg4: memref<1024x512xf32, #tpu.memory_space<vmem>>) attributes {dimension_semantics = [#tpu.dimension_semantics<arbitrary>], iteration_bounds = array<i64: 8>, scalar_prefetch = 0 : i64, scratch_operands = 0 : i64, tpu.core_type = #tpu.core_type<tc>, window_params = [{pipeline_mode = #tpu.pipeline_mode<synchronous>, transform_indices = @transform_0, window_bounds = array<i64: 1024, 2048>}, {transform_indices = @transform_1, window_bounds = array<i64: 2048, 512>}, {transform_indices = @transform_2, window_bounds = array<i64: 1, 512>}, {transform_indices = @transform_3, window_bounds = array<i64: 1024, 512>}]} {
    %get3A = arith.constant 0 : index
    %get3A_0 = arith.constant 0 : index
    %get3A_1 = vector.load %arg1[%get3A, %get3A_0] : memref<1024x2048xf32, #tpu.memory_space<vmem>>, vector<1024x2048xf32>
    %get3A_2 = arith.constant 0 : index
    %get3A_3 = arith.constant 0 : index
    %get3A_4 = vector.load %arg2[%get3A_2, %get3A_3] : memref<2048x512xf32, #tpu.memory_space<vmem>>, vector<2048x512xf32>
    %dot_general3A = arith.constant dense<0.000000e+00> : vector<1024x512xf32>
    %dot_general3A_5 = tpu.matmul %get3A_1, %get3A_4, %dot_general3A {dimension_numbers = #tpu.dot_dimension_numbers<[1], [0], [0], [1], [0, 0, 1, 1], [], []>, transpose_lhs_hint = false} : vector<1024x2048xf32>, vector<2048x512xf32>, vector<1024x512xf32> -> vector<1024x512xf32>
    %get3A_6 = arith.constant 0 : index
    %get3A_7 = arith.constant 0 : index
    %get3A_8 = vector.load %arg3[%get3A_6, %get3A_7] : memref<1x512xf32, #tpu.memory_space<vmem>>, vector<1x512xf32>
    %add3A = vector.broadcast %get3A_8 : vector<1x512xf32> to vector<1024x512xf32>
    %add3A_9 = arith.addf %dot_general3A_5, %add3A : vector<1024x512xf32>
    %swap3A = arith.constant 0 : index
    %swap3A_10 = arith.constant 0 : index
    %swap3A_11 = vector.load %arg4[%swap3A, %swap3A_10] : memref<1024x512xf32, #tpu.memory_space<vmem>>, vector<1024x512xf32>
    tpu.vector_store %arg4[%swap3A, %swap3A_10], %add3A_9 {strides = array<i32>} : memref<1024x512xf32, #tpu.memory_space<vmem>>, vector<1024x512xf32>,
    return
  }
  func.func @transform_0(%arg0: i32) -> (i32, i32) {
    %c0_i32 = arith.constant 0 : i32
    %c0_i32_0 = arith.constant 0 : i32
    %c0_i32_1 = arith.constant 0 : i32
    return %c0_i32, %c0_i32_0 : i32, i32
  }
  func.func @transform_1(%arg0: i32) -> (i32, i32) {
    %c0_i32 = arith.constant 0 : i32
    %c0_i32_0 = arith.constant 0 : i32
    return %c0_i32, %arg0 : i32, i32
  }
  func.func @transform_2(%arg0: i32) -> (i32, i32) {
    %c0_i32 = arith.constant 0 : i32
    %c0_i32_0 = arith.constant 0 : i32
    return %c0_i32, %arg0 : i32, i32
  }
  func.func @transform_3(%arg0: i32) -> (i32, i32) {
    %c0_i32 = arith.constant 0 : i32
    %c0_i32_0 = arith.constant 0 : i32
    return %c0_i32, %arg0 : i32, i32
  }
}

module attributes {stable_mosaic.version = 14 : i64} {
  func.func @_mlp2_body(%arg0: i32, %arg1: i32, %arg2: memref<256x4096xf32, #tpu.memory_space<vmem>>, %arg3: memref<4096x512xf32, #tpu.memory_space<vmem>>, %arg4: memref<1x512xf32, #tpu.memory_space<vmem>>, %arg5: memref<256x512xf32, #tpu.memory_space<vmem>>) attributes {dimension_semantics = [#tpu.dimension_semantics<arbitrary>, #tpu.dimension_semantics<arbitrary>], iteration_bounds = array<i64: 4, 4>, scalar_prefetch = 0 : i64, scratch_operands = 0 : i64, tpu.core_type = #tpu.core_type<tc>, window_params = [{transform_indices = @transform_0, window_bounds = array<i64: 256, 4096>}, {transform_indices = @transform_1, window_bounds = array<i64: 4096, 512>}, {transform_indices = @transform_2, window_bounds = array<i64: 1, 512>}, {transform_indices = @transform_3, window_bounds = array<i64: 256, 512>}]} {
    %get3A = arith.constant 0 : index
    %get3A_0 = arith.constant 0 : index
    %get3A_1 = vector.load %arg2[%get3A, %get3A_0] : memref<256x4096xf32, #tpu.memory_space<vmem>>, vector<256x4096xf32>
    %get3A_2 = arith.constant 0 : index
    %get3A_3 = arith.constant 0 : index
    %get3A_4 = vector.load %arg3[%get3A_2, %get3A_3] : memref<4096x512xf32, #tpu.memory_space<vmem>>, vector<4096x512xf32>
    %dot_general3A = arith.constant dense<0.000000e+00> : vector<256x512xf32>
    %dot_general3A_5 = tpu.matmul %get3A_1, %get3A_4, %dot_general3A {dimension_numbers = #tpu.dot_dimension_numbers<[1], [0], [0], [1], [0, 0, 1, 1], [], []>, transpose_lhs_hint = false} : vector<256x4096xf32>, vector<4096x512xf32>, vector<256x512xf32> -> vector<256x512xf32>
    %get3A_6 = arith.constant 0 : index
    %get3A_7 = arith.constant 0 : index
    %get3A_8 = vector.load %arg4[%get3A_6, %get3A_7] : memref<1x512xf32, #tpu.memory_space<vmem>>, vector<1x512xf32>
    %add3A = vector.broadcast %get3A_8 : vector<1x512xf32> to vector<256x512xf32>
    %add3A_9 = arith.addf %dot_general3A_5, %add3A : vector<256x512xf32>
    %swap3A = arith.constant 0 : index
    %swap3A_10 = arith.constant 0 : index
    %swap3A_11 = vector.load %arg5[%swap3A, %swap3A_10] : memref<256x512xf32, #tpu.memory_space<vmem>>, vector<256x512xf32>
    tpu.vector_store %arg5[%swap3A, %swap3A_10], %add3A_9 {strides = array<i32>} : memref<256x512xf32, #tpu.memory_space<vmem>>, vector<256x512xf32>,
    return
  }
  func.func @transform_0(%arg0: i32, %arg1: i32) -> (i32, i32) {
    %c0_i32 = arith.constant 0 : i32
    %c0_i32_0 = arith.constant 0 : i32
    return %arg0, %c0_i32 : i32, i32
  }
  func.func @transform_1(%arg0: i32, %arg1: i32) -> (i32, i32) {
    %c0_i32 = arith.constant 0 : i32
    %c0_i32_0 = arith.constant 0 : i32
    return %c0_i32, %arg1 : i32, i32
  }
  func.func @transform_2(%arg0: i32, %arg1: i32) -> (i32, i32) {
    %c0_i32 = arith.constant 0 : i32
    %c0_i32_0 = arith.constant 0 : i32
    return %c0_i32, %arg1 : i32, i32
  }
  func.func @transform_3(%arg0: i32, %arg1: i32) -> (i32, i32) {
    %c0_i32 = arith.constant 0 : i32
    return %arg0, %arg1 : i32, i32
  }
}

module attributes {stable_mosaic.version = 14 : i64} {
  func.func @_logits_body(%arg0: i32, %arg1: memref<1024x2048xf32, #tpu.memory_space<vmem>>, %arg2: memref<512x2048xf32, #tpu.memory_space<vmem>>, %arg3: memref<1x512xf32, #tpu.memory_space<vmem>>, %arg4: memref<1x512xi32, #tpu.memory_space<vmem>>, %arg5: memref<5xf32, #tpu.memory_space<smem>>, %arg6: memref<1024x512xf32, #tpu.memory_space<vmem>>, %arg7: memref<1024x128xf32, #tpu.memory_space<vmem>>) attributes {dimension_semantics = [#tpu.dimension_semantics<arbitrary>], iteration_bounds = array<i64: 20>, scalar_prefetch = 0 : i64, scratch_operands = 0 : i64, tpu.core_type = #tpu.core_type<tc>, window_params = [{pipeline_mode = #tpu.pipeline_mode<synchronous>, transform_indices = @transform_0, window_bounds = array<i64: 1024, 2048>}, {transform_indices = @transform_1, window_bounds = array<i64: 512, 2048>}, {transform_indices = @transform_2, window_bounds = array<i64: 1, 512>}, {transform_indices = @transform_3, window_bounds = array<i64: 1, 512>}, {transform_indices = @transform_4, window_bounds = array<i64: 5>}, {transform_indices = @transform_5, window_bounds = array<i64: 1024, 512>}, {pipeline_mode = #tpu.pipeline_mode<synchronous>, transform_indices = @transform_6, window_bounds = array<i64: 1024, 128>}]} {
    %get3A = arith.constant 0 : index
    %get3A_0 = arith.constant 0 : index
    %get3A_1 = vector.load %arg1[%get3A, %get3A_0] : memref<1024x2048xf32, #tpu.memory_space<vmem>>, vector<1024x2048xf32>
    %get3A_2 = arith.constant 0 : index
    %get3A_3 = arith.constant 0 : index
    %get3A_4 = vector.load %arg2[%get3A_2, %get3A_3] : memref<512x2048xf32, #tpu.memory_space<vmem>>, vector<512x2048xf32>
    %dot_general3A = arith.constant dense<0.000000e+00> : vector<1024x512xf32>
    %dot_general3A_5 = tpu.matmul %get3A_1, %get3A_4, %dot_general3A {dimension_numbers = #tpu.dot_dimension_numbers<[1], [1], [0], [0], [0, 0, 1, 0], [], []>, transpose_lhs_hint = false} : vector<1024x2048xf32>, vector<512x2048xf32>, vector<1024x512xf32> -> vector<1024x512xf32>
    %get3A_6 = arith.constant 0 : index
    %get3A_7 = arith.constant 0 : index
    %get3A_8 = vector.load %arg4[%get3A_6, %get3A_7] : memref<1x512xi32, #tpu.memory_space<vmem>>, vector<1x512xi32>
    %eq3A = arith.constant 0 : i32
    %eq3A_9 = vector.broadcast %eq3A : i32 to vector<1x512xi32>
    %eq3A_10 = arith.cmpi eq, %get3A_8, %eq3A_9 : vector<1x512xi32>
    %get3A_11 = arith.constant 0 : index
    %get3A_12 = memref.load %arg5[%get3A_11] : memref<5xf32, #tpu.memory_space<smem>>
    %eq3A_13 = arith.constant 1 : i32
    %eq3A_14 = vector.broadcast %eq3A_13 : i32 to vector<1x512xi32>
    %eq3A_15 = arith.cmpi eq, %get3A_8, %eq3A_14 : vector<1x512xi32>
    %get3A_16 = arith.constant 1 : index
    %get3A_17 = memref.load %arg5[%get3A_16] : memref<5xf32, #tpu.memory_space<smem>>
    %eq3A_18 = arith.constant 2 : i32
    %eq3A_19 = vector.broadcast %eq3A_18 : i32 to vector<1x512xi32>
    %eq3A_20 = arith.cmpi eq, %get3A_8, %eq3A_19 : vector<1x512xi32>
    %get3A_21 = arith.constant 2 : index
    %get3A_22 = memref.load %arg5[%get3A_21] : memref<5xf32, #tpu.memory_space<smem>>
    %eq3A_23 = arith.constant 3 : i32
    %eq3A_24 = vector.broadcast %eq3A_23 : i32 to vector<1x512xi32>
    %eq3A_25 = arith.cmpi eq, %get3A_8, %eq3A_24 : vector<1x512xi32>
    %get3A_26 = arith.constant 3 : index
    %get3A_27 = memref.load %arg5[%get3A_26] : memref<5xf32, #tpu.memory_space<smem>>
    %get3A_28 = arith.constant 4 : index
    %get3A_29 = memref.load %arg5[%get3A_28] : memref<5xf32, #tpu.memory_space<smem>>
    %broadcast_in_dim3A = vector.broadcast %get3A_27 : f32 to vector<1x512xf32>
    %broadcast_in_dim3A_30 = vector.broadcast %get3A_29 : f32 to vector<1x512xf32>
    %select_n3A = arith.select %eq3A_25, %broadcast_in_dim3A, %broadcast_in_dim3A_30 : vector<1x512xi1>, vector<1x512xf32>
    %broadcast_in_dim3A_31 = vector.broadcast %get3A_22 : f32 to vector<1x512xf32>
    %select_n3A_32 = arith.select %eq3A_20, %broadcast_in_dim3A_31, %select_n3A : vector<1x512xi1>, vector<1x512xf32>
    %broadcast_in_dim3A_33 = vector.broadcast %get3A_17 : f32 to vector<1x512xf32>
    %select_n3A_34 = arith.select %eq3A_15, %broadcast_in_dim3A_33, %select_n3A_32 : vector<1x512xi1>, vector<1x512xf32>
    %broadcast_in_dim3A_35 = vector.broadcast %get3A_12 : f32 to vector<1x512xf32>
    %select_n3A_36 = arith.select %eq3A_10, %broadcast_in_dim3A_35, %select_n3A_34 : vector<1x512xi1>, vector<1x512xf32>
    %get3A_37 = arith.constant 0 : index
    %get3A_38 = arith.constant 0 : index
    %get3A_39 = vector.load %arg3[%get3A_37, %get3A_38] : memref<1x512xf32, #tpu.memory_space<vmem>>, vector<1x512xf32>
    %mul3A = vector.broadcast %get3A_39 : vector<1x512xf32> to vector<1024x512xf32>
    %mul3A_40 = arith.mulf %dot_general3A_5, %mul3A : vector<1024x512xf32>
    %add3A = vector.broadcast %select_n3A_36 : vector<1x512xf32> to vector<1024x512xf32>
    %add3A_41 = arith.addf %mul3A_40, %add3A : vector<1024x512xf32>
    %div3A = arith.constant 5.000000e-01 : f32
    %div3A_42 = vector.broadcast %div3A : f32 to vector<1024x512xf32>
    %div3A_43 = arith.divf %add3A_41, %div3A_42 : vector<1024x512xf32>
    %mul3A_44 = arith.constant 512 : i32
    %mul3A_45 = arith.muli %arg0, %mul3A_44 : i32
    %iota3A = tpu.iota {dimensions = array<i32: 1>} : vector<1x512xi32>
    %add3A_46 = vector.broadcast %mul3A_45 : i32 to vector<1x512xi32>
    %add3A_47 = arith.addi %add3A_46, %iota3A : vector<1x512xi32>
    %lt3A = arith.constant 10000 : i32
    %lt3A_48 = vector.broadcast %lt3A : i32 to vector<1x512xi32>
    %lt3A_49 = arith.cmpi slt, %add3A_47, %lt3A_48 : vector<1x512xi32>
    %jit3A = arith.constant 0xFF800000 : f32
    %broadcast_in_dim3A_50 = vector.shape_cast %lt3A_49 : vector<1x512xi1> to vector<1x512xi1>
    %broadcast_in_dim3A_51 = vector.broadcast %broadcast_in_dim3A_50 : vector<1x512xi1> to vector<1024x512xi1>
    %broadcast_in_dim3A_52 = vector.broadcast %jit3A : f32 to vector<1024x512xf32>
    %select_n3A_53 = arith.select %broadcast_in_dim3A_51, %div3A_43, %broadcast_in_dim3A_52 : vector<1024x512xi1>, vector<1024x512xf32>
    %reduce_max3A = arith.constant dense<0xFF800000> : vector<1024xf32>
    %reduce_max3A_54 = vector.multi_reduction <maximumf>, %select_n3A_53, %reduce_max3A [1] : vector<1024x512xf32> to vector<1024xf32>
    %broadcast_in_dim3A_55 = vector.shape_cast %reduce_max3A_54 : vector<1024xf32> to vector<1024x1xf32>
    %eq3A_56 = arith.constant 0 : i32
    %eq3A_57 = arith.cmpi eq, %arg0, %eq3A_56 : i32
    %convert_element_type3A = arith.extui %eq3A_57 : i1 to i32
    %cond3A = arith.constant 0 : i32
    %cond3A_58 = arith.cmpi ne, %convert_element_type3A, %cond3A : i32
    scf.if %cond3A_58 {
      %broadcast_in_dim3A_67 = arith.constant 0xFF800000 : f32
      %broadcast_in_dim3A_68 = vector.broadcast %broadcast_in_dim3A_67 : f32 to vector<1024x128xf32>
      %swap3A_69 = arith.constant 0 : index
      %swap3A_70 = arith.constant 0 : index
      %swap3A_71 = vector.load %arg7[%swap3A_69, %swap3A_70] : memref<1024x128xf32, #tpu.memory_space<vmem>>, vector<1024x128xf32>
      tpu.vector_store %arg7[%swap3A_69, %swap3A_70], %broadcast_in_dim3A_68 {strides = array<i32>} : memref<1024x128xf32, #tpu.memory_space<vmem>>, vector<1024x128xf32>,
    } else {
    }
    %get3A_59 = arith.constant 0 : index
    %get3A_60 = arith.constant 0 : index
    %get3A_61 = vector.load %arg7[%get3A_59, %get3A_60] : memref<1024x128xf32, #tpu.memory_space<vmem>>, vector<1024x1xf32>
    %max3A = arith.maximumf %get3A_61, %broadcast_in_dim3A_55 : vector<1024x1xf32>
    %swap3A = arith.constant 0 : index
    %swap3A_62 = arith.constant 0 : index
    %swap3A_63 = vector.load %arg7[%swap3A, %swap3A_62] : memref<1024x128xf32, #tpu.memory_space<vmem>>, vector<1024x1xf32>
    tpu.vector_store %arg7[%swap3A, %swap3A_62], %max3A {strides = array<i32>} : memref<1024x128xf32, #tpu.memory_space<vmem>>, vector<1024x1xf32>,
    %swap3A_64 = arith.constant 0 : index
    %swap3A_65 = arith.constant 0 : index
    %swap3A_66 = vector.load %arg6[%swap3A_64, %swap3A_65] : memref<1024x512xf32, #tpu.memory_space<vmem>>, vector<1024x512xf32>
    tpu.vector_store %arg6[%swap3A_64, %swap3A_65], %div3A_43 {strides = array<i32>} : memref<1024x512xf32, #tpu.memory_space<vmem>>, vector<1024x512xf32>,
    return
  }
  func.func @transform_0(%arg0: i32) -> (i32, i32) {
    %c0_i32 = arith.constant 0 : i32
    %c0_i32_0 = arith.constant 0 : i32
    %c0_i32_1 = arith.constant 0 : i32
    return %c0_i32, %c0_i32_0 : i32, i32
  }
  func.func @transform_1(%arg0: i32) -> (i32, i32) {
    %c0_i32 = arith.constant 0 : i32
    %c0_i32_0 = arith.constant 0 : i32
    return %arg0, %c0_i32 : i32, i32
  }
  func.func @transform_2(%arg0: i32) -> (i32, i32) {
    %c0_i32 = arith.constant 0 : i32
    %c0_i32_0 = arith.constant 0 : i32
    return %c0_i32, %arg0 : i32, i32
  }
  func.func @transform_3(%arg0: i32) -> (i32, i32) {
    %c0_i32 = arith.constant 0 : i32
    %c0_i32_0 = arith.constant 0 : i32
    return %c0_i32, %arg0 : i32, i32
  }
  func.func @transform_4(%arg0: i32) -> i32 {
    %c0_i32 = arith.constant 0 : i32
    %c0_i32_0 = arith.constant 0 : i32
    return %c0_i32 : i32
  }
  func.func @transform_5(%arg0: i32) -> (i32, i32) {
    %c0_i32 = arith.constant 0 : i32
    %c0_i32_0 = arith.constant 0 : i32
    return %c0_i32, %arg0 : i32, i32
  }
  func.func @transform_6(%arg0: i32) -> (i32, i32) {
    %c0_i32 = arith.constant 0 : i32
    %c0_i32_0 = arith.constant 0 : i32
    %c0_i32_1 = arith.constant 0 : i32
    return %c0_i32, %c0_i32_0 : i32, i32
  }
}

module attributes {stable_mosaic.version = 14 : i64} {
  func.func @_exp_body(%arg0: i32, %arg1: memref<1024x512xf32, #tpu.memory_space<vmem>>, %arg2: memref<1024x128xf32, #tpu.memory_space<vmem>>, %arg3: memref<1024x512xf32, #tpu.memory_space<vmem>>, %arg4: memref<1024x128xf32, #tpu.memory_space<vmem>>) attributes {dimension_semantics = [#tpu.dimension_semantics<arbitrary>], iteration_bounds = array<i64: 20>, scalar_prefetch = 0 : i64, scratch_operands = 0 : i64, tpu.core_type = #tpu.core_type<tc>, window_params = [{transform_indices = @transform_0, window_bounds = array<i64: 1024, 512>}, {pipeline_mode = #tpu.pipeline_mode<synchronous>, transform_indices = @transform_1, window_bounds = array<i64: 1024, 128>}, {transform_indices = @transform_2, window_bounds = array<i64: 1024, 512>}, {pipeline_mode = #tpu.pipeline_mode<synchronous>, transform_indices = @transform_3, window_bounds = array<i64: 1024, 128>}]} {
    %get3A = arith.constant 0 : index
    %get3A_0 = arith.constant 0 : index
    %get3A_1 = vector.load %arg2[%get3A, %get3A_0] : memref<1024x128xf32, #tpu.memory_space<vmem>>, vector<1024x1xf32>
    %mul3A = arith.constant 512 : i32
    %mul3A_2 = arith.muli %arg0, %mul3A : i32
    %iota3A = tpu.iota {dimensions = array<i32: 1>} : vector<1x512xi32>
    %add3A = vector.broadcast %mul3A_2 : i32 to vector<1x512xi32>
    %add3A_3 = arith.addi %add3A, %iota3A : vector<1x512xi32>
    %lt3A = arith.constant 10000 : i32
    %lt3A_4 = vector.broadcast %lt3A : i32 to vector<1x512xi32>
    %lt3A_5 = arith.cmpi slt, %add3A_3, %lt3A_4 : vector<1x512xi32>
    %get3A_6 = arith.constant 0 : index
    %get3A_7 = arith.constant 0 : index
    %get3A_8 = vector.load %arg1[%get3A_6, %get3A_7] : memref<1024x512xf32, #tpu.memory_space<vmem>>, vector<1024x512xf32>
    %sub3A = vector.broadcast %get3A_1 : vector<1024x1xf32> to vector<1024x512xf32>
    %sub3A_9 = arith.subf %get3A_8, %sub3A : vector<1024x512xf32>
    %exp3A = math.exp %sub3A_9 : vector<1024x512xf32>
    %jit3A = arith.constant 0.000000e+00 : f32
    %broadcast_in_dim3A = vector.shape_cast %lt3A_5 : vector<1x512xi1> to vector<1x512xi1>
    %broadcast_in_dim3A_10 = vector.broadcast %broadcast_in_dim3A : vector<1x512xi1> to vector<1024x512xi1>
    %broadcast_in_dim3A_11 = vector.broadcast %jit3A : f32 to vector<1024x512xf32>
    %select_n3A = arith.select %broadcast_in_dim3A_10, %exp3A, %broadcast_in_dim3A_11 : vector<1024x512xi1>, vector<1024x512xf32>
    %swap3A = arith.constant 0 : index
    %swap3A_12 = arith.constant 0 : index
    %swap3A_13 = vector.load %arg3[%swap3A, %swap3A_12] : memref<1024x512xf32, #tpu.memory_space<vmem>>, vector<1024x512xf32>
    tpu.vector_store %arg3[%swap3A, %swap3A_12], %select_n3A {strides = array<i32>} : memref<1024x512xf32, #tpu.memory_space<vmem>>, vector<1024x512xf32>,
    %eq3A = arith.constant 0 : i32
    %eq3A_14 = arith.cmpi eq, %arg0, %eq3A : i32
    %convert_element_type3A = arith.extui %eq3A_14 : i1 to i32
    %cond3A = arith.constant 0 : i32
    %cond3A_15 = arith.cmpi ne, %convert_element_type3A, %cond3A : i32
    scf.if %cond3A_15 {
      %broadcast_in_dim3A_25 = arith.constant 0.000000e+00 : f32
      %broadcast_in_dim3A_26 = vector.broadcast %broadcast_in_dim3A_25 : f32 to vector<1024x128xf32>
      %swap3A_27 = arith.constant 0 : index
      %swap3A_28 = arith.constant 0 : index
      %swap3A_29 = vector.load %arg4[%swap3A_27, %swap3A_28] : memref<1024x128xf32, #tpu.memory_space<vmem>>, vector<1024x128xf32>
      tpu.vector_store %arg4[%swap3A_27, %swap3A_28], %broadcast_in_dim3A_26 {strides = array<i32>} : memref<1024x128xf32, #tpu.memory_space<vmem>>, vector<1024x128xf32>,
    } else {
    }
    %get3A_16 = arith.constant 0 : index
    %get3A_17 = arith.constant 0 : index
    %get3A_18 = vector.load %arg4[%get3A_16, %get3A_17] : memref<1024x128xf32, #tpu.memory_space<vmem>>, vector<1024x1xf32>
    %reduce_sum3A = arith.constant dense<0.000000e+00> : vector<1024xf32>
    %reduce_sum3A_19 = vector.multi_reduction <add>, %select_n3A, %reduce_sum3A [1] : vector<1024x512xf32> to vector<1024xf32>
    %broadcast_in_dim3A_20 = vector.shape_cast %reduce_sum3A_19 : vector<1024xf32> to vector<1024x1xf32>
    %add3A_21 = arith.addf %get3A_18, %broadcast_in_dim3A_20 : vector<1024x1xf32>
    %swap3A_22 = arith.constant 0 : index
    %swap3A_23 = arith.constant 0 : index
    %swap3A_24 = vector.load %arg4[%swap3A_22, %swap3A_23] : memref<1024x128xf32, #tpu.memory_space<vmem>>, vector<1024x1xf32>
    tpu.vector_store %arg4[%swap3A_22, %swap3A_23], %add3A_21 {strides = array<i32>} : memref<1024x128xf32, #tpu.memory_space<vmem>>, vector<1024x1xf32>,
    return
  }
  func.func @transform_0(%arg0: i32) -> (i32, i32) {
    %c0_i32 = arith.constant 0 : i32
    %c0_i32_0 = arith.constant 0 : i32
    return %c0_i32, %arg0 : i32, i32
  }
  func.func @transform_1(%arg0: i32) -> (i32, i32) {
    %c0_i32 = arith.constant 0 : i32
    %c0_i32_0 = arith.constant 0 : i32
    %c0_i32_1 = arith.constant 0 : i32
    return %c0_i32, %c0_i32_0 : i32, i32
  }
  func.func @transform_2(%arg0: i32) -> (i32, i32) {
    %c0_i32 = arith.constant 0 : i32
    %c0_i32_0 = arith.constant 0 : i32
    return %c0_i32, %arg0 : i32, i32
  }
  func.func @transform_3(%arg0: i32) -> (i32, i32) {
    %c0_i32 = arith.constant 0 : i32
    %c0_i32_0 = arith.constant 0 : i32
    %c0_i32_1 = arith.constant 0 : i32
    return %c0_i32, %c0_i32_0 : i32, i32
  }
}

module attributes {stable_mosaic.version = 14 : i64} {
  func.func @_div_body(%arg0: i32, %arg1: memref<1024x512xf32, #tpu.memory_space<vmem>>, %arg2: memref<1024x128xf32, #tpu.memory_space<vmem>>, %arg3: memref<1024x512xf32, #tpu.memory_space<vmem>>) attributes {dimension_semantics = [#tpu.dimension_semantics<arbitrary>], iteration_bounds = array<i64: 20>, scalar_prefetch = 0 : i64, scratch_operands = 0 : i64, tpu.core_type = #tpu.core_type<tc>, window_params = [{transform_indices = @transform_0, window_bounds = array<i64: 1024, 512>}, {pipeline_mode = #tpu.pipeline_mode<synchronous>, transform_indices = @transform_1, window_bounds = array<i64: 1024, 128>}, {transform_indices = @transform_2, window_bounds = array<i64: 1024, 512>}]} {
    %mul3A = arith.constant 512 : i32
    %mul3A_0 = arith.muli %arg0, %mul3A : i32
    %iota3A = tpu.iota {dimensions = array<i32: 1>} : vector<1x512xi32>
    %add3A = vector.broadcast %mul3A_0 : i32 to vector<1x512xi32>
    %add3A_1 = arith.addi %add3A, %iota3A : vector<1x512xi32>
    %lt3A = arith.constant 10000 : i32
    %lt3A_2 = vector.broadcast %lt3A : i32 to vector<1x512xi32>
    %lt3A_3 = arith.cmpi slt, %add3A_1, %lt3A_2 : vector<1x512xi32>
    %get3A = arith.constant 0 : index
    %get3A_4 = arith.constant 0 : index
    %get3A_5 = vector.load %arg1[%get3A, %get3A_4] : memref<1024x512xf32, #tpu.memory_space<vmem>>, vector<1024x512xf32>
    %get3A_6 = arith.constant 0 : index
    %get3A_7 = arith.constant 0 : index
    %get3A_8 = vector.load %arg2[%get3A_6, %get3A_7] : memref<1024x128xf32, #tpu.memory_space<vmem>>, vector<1024x1xf32>
    %div3A = vector.broadcast %get3A_8 : vector<1024x1xf32> to vector<1024x512xf32>
    %div3A_9 = arith.divf %get3A_5, %div3A : vector<1024x512xf32>
    %jit3A = arith.constant -1.000000e+00 : f32
    %broadcast_in_dim3A = vector.shape_cast %lt3A_3 : vector<1x512xi1> to vector<1x512xi1>
    %broadcast_in_dim3A_10 = vector.broadcast %broadcast_in_dim3A : vector<1x512xi1> to vector<1024x512xi1>
    %broadcast_in_dim3A_11 = vector.broadcast %jit3A : f32 to vector<1024x512xf32>
    %select_n3A = arith.select %broadcast_in_dim3A_10, %div3A_9, %broadcast_in_dim3A_11 : vector<1024x512xi1>, vector<1024x512xf32>
    %swap3A = arith.constant 0 : index
    %swap3A_12 = arith.constant 0 : index
    %swap3A_13 = vector.load %arg3[%swap3A, %swap3A_12] : memref<1024x512xf32, #tpu.memory_space<vmem>>, vector<1024x512xf32>
    tpu.vector_store %arg3[%swap3A, %swap3A_12], %select_n3A {strides = array<i32>} : memref<1024x512xf32, #tpu.memory_space<vmem>>, vector<1024x512xf32>,
    return
  }
  func.func @transform_0(%arg0: i32) -> (i32, i32) {
    %c0_i32 = arith.constant 0 : i32
    %c0_i32_0 = arith.constant 0 : i32
    return %c0_i32, %arg0 : i32, i32
  }
  func.func @transform_1(%arg0: i32) -> (i32, i32) {
    %c0_i32 = arith.constant 0 : i32
    %c0_i32_0 = arith.constant 0 : i32
    %c0_i32_1 = arith.constant 0 : i32
    return %c0_i32, %c0_i32_0 : i32, i32
  }
  func.func @transform_2(%arg0: i32) -> (i32, i32) {
    %c0_i32 = arith.constant 0 : i32
    %c0_i32_0 = arith.constant 0 : i32
    return %c0_i32, %arg0 : i32, i32
  }
}

module attributes {stable_mosaic.version = 14 : i64} {
  func.func @_topk_body(%arg0: i32, %arg1: memref<128x10240xf32, #tpu.memory_space<vmem>>, %arg2: memref<128x64xi32, #tpu.memory_space<vmem>>, %arg3: memref<128x10240xf32, #tpu.memory_space<vmem>>) attributes {dimension_semantics = [#tpu.dimension_semantics<arbitrary>], iteration_bounds = array<i64: 8>, scalar_prefetch = 0 : i64, scratch_operands = 1 : i64, tpu.core_type = #tpu.core_type<tc>, window_params = [{transform_indices = @transform_0, window_bounds = array<i64: 128, 10240>}, {transform_indices = @transform_1, window_bounds = array<i64: 128, 64>}]} {
    %get3A = arith.constant 0 : index
    %get3A_0 = arith.constant 0 : index
    %get3A_1 = vector.load %arg1[%get3A, %get3A_0] : memref<128x10240xf32, #tpu.memory_space<vmem>>, vector<128x10240xf32>
    %swap3A = arith.constant 0 : index
    %swap3A_2 = arith.constant 0 : index
    %swap3A_3 = vector.load %arg3[%swap3A, %swap3A_2] : memref<128x10240xf32, #tpu.memory_space<vmem>>, vector<128x10240xf32>
    tpu.vector_store %arg3[%swap3A, %swap3A_2], %get3A_1 {strides = array<i32>} : memref<128x10240xf32, #tpu.memory_space<vmem>>, vector<128x10240xf32>,
    %iota3A = tpu.iota {dimensions = array<i32: 1>} : vector<128x10240xi32>
    %iota3A_4 = tpu.iota {dimensions = array<i32: 1>} : vector<128x64xi32>
    %broadcast_in_dim3A = arith.constant 0 : i32
    %broadcast_in_dim3A_5 = vector.broadcast %broadcast_in_dim3A : i32 to vector<128x64xi32>
    %scan3A = arith.constant 0 : i32
    %scan3A_6 = arith.constant 50 : i32
    %scan3A_7 = arith.addi %scan3A, %scan3A_6 : i32
    %scan3A_8 = arith.constant 1 : i32
    %scan3A_9 = scf.for %scan3A_14 = %scan3A to %scan3A_7 step %scan3A_8 iter_args(%scan3A_15 = %broadcast_in_dim3A_5) -> (vector<128x64xi32>)  : i32 {
      %get3A_16 = arith.constant 0 : index
      %get3A_17 = arith.constant 0 : index
      %get3A_18 = vector.load %arg3[%get3A_16, %get3A_17] : memref<128x10240xf32, #tpu.memory_space<vmem>>, vector<128x10240xf32>
      %reduce_max3A = arith.constant dense<0xFF800000> : vector<128xf32>
      %reduce_max3A_19 = vector.multi_reduction <maximumf>, %get3A_18, %reduce_max3A [1] : vector<128x10240xf32> to vector<128xf32>
      %broadcast_in_dim3A_20 = vector.shape_cast %reduce_max3A_19 : vector<128xf32> to vector<128x1xf32>
      %eq3A = vector.broadcast %broadcast_in_dim3A_20 : vector<128x1xf32> to vector<128x10240xf32>
      %eq3A_21 = arith.cmpf oeq, %get3A_18, %eq3A : vector<128x10240xf32>
      %jit3A = arith.constant 1073741824 : i32
      %broadcast_in_dim3A_22 = vector.broadcast %jit3A : i32 to vector<128x10240xi32>
      %select_n3A = arith.select %eq3A_21, %iota3A, %broadcast_in_dim3A_22 : vector<128x10240xi1>, vector<128x10240xi32>
      %reduce_min3A = arith.constant dense<2147483647> : vector<128xi32>
      %reduce_min3A_23 = vector.multi_reduction <minsi>, %select_n3A, %reduce_min3A [1] : vector<128x10240xi32> to vector<128xi32>
      %broadcast_in_dim3A_24 = vector.shape_cast %reduce_min3A_23 : vector<128xi32> to vector<128x1xi32>
      %eq3A_25 = vector.broadcast %scan3A_14 : i32 to vector<128x64xi32>
      %eq3A_26 = arith.cmpi eq, %iota3A_4, %eq3A_25 : vector<128x64xi32>
      %broadcast_in_dim3A_27 = vector.shape_cast %broadcast_in_dim3A_24 : vector<128x1xi32> to vector<128x1xi32>
      %broadcast_in_dim3A_28 = vector.broadcast %broadcast_in_dim3A_27 : vector<128x1xi32> to vector<128x64xi32>
      %select_n3A_29 = arith.select %eq3A_26, %broadcast_in_dim3A_28, %scan3A_15 : vector<128x64xi1>, vector<128x64xi32>
      %eq3A_30 = vector.broadcast %broadcast_in_dim3A_24 : vector<128x1xi32> to vector<128x10240xi32>
      %eq3A_31 = arith.cmpi eq, %iota3A, %eq3A_30 : vector<128x10240xi32>
      %jit3A_32 = arith.constant -2.000000e+00 : f32
      %broadcast_in_dim3A_33 = vector.broadcast %jit3A_32 : f32 to vector<128x10240xf32>
      %select_n3A_34 = arith.select %eq3A_31, %broadcast_in_dim3A_33, %get3A_18 : vector<128x10240xi1>, vector<128x10240xf32>
      %swap3A_35 = arith.constant 0 : index
      %swap3A_36 = arith.constant 0 : index
      %swap3A_37 = vector.load %arg3[%swap3A_35, %swap3A_36] : memref<128x10240xf32, #tpu.memory_space<vmem>>, vector<128x10240xf32>
      tpu.vector_store %arg3[%swap3A_35, %swap3A_36], %select_n3A_34 {strides = array<i32>} : memref<128x10240xf32, #tpu.memory_space<vmem>>, vector<128x10240xf32>,
      scf.yield %select_n3A_29 : vector<128x64xi32>
    }
    %scan3A_10 = arith.constant 50 : i32
    %swap3A_11 = arith.constant 0 : index
    %swap3A_12 = arith.constant 0 : index
    %swap3A_13 = vector.load %arg2[%swap3A_11, %swap3A_12] : memref<128x64xi32, #tpu.memory_space<vmem>>, vector<128x64xi32>
    tpu.vector_store %arg2[%swap3A_11, %swap3A_12], %scan3A_9 {strides = array<i32>} : memref<128x64xi32, #tpu.memory_space<vmem>>, vector<128x64xi32>,
    return
  }
  func.func @transform_0(%arg0: i32) -> (i32, i32) {
    %c0_i32 = arith.constant 0 : i32
    %c0_i32_0 = arith.constant 0 : i32
    return %arg0, %c0_i32 : i32, i32
  }
  func.func @transform_1(%arg0: i32) -> (i32, i32) {
    %c0_i32 = arith.constant 0 : i32
    %c0_i32_0 = arith.constant 0 : i32
    return %arg0, %c0_i32 : i32, i32
  }
}

module attributes {stable_mosaic.version = 14 : i64} {
  func.func @_gather_body(%arg0: i32, %arg1: memref<51200xi32, #tpu.memory_space<smem>>, %arg2: memref<1x1x2048xf32, #tpu.memory_space<vmem>>, %arg3: memref<1x1x2048xf32, #tpu.memory_space<vmem>>) attributes {dimension_semantics = [#tpu.dimension_semantics<arbitrary>], iteration_bounds = array<i64: 51200>, scalar_prefetch = 1 : i64, scratch_operands = 0 : i64, tpu.core_type = #tpu.core_type<tc>, window_params = [{transform_indices = @transform_0, window_bounds = array<i64: 1, 1, 2048>}, {transform_indices = @transform_1, window_bounds = array<i64: 1, 1, 2048>}]} {
    %get3A = arith.constant 0 : index
    %get3A_0 = arith.constant 0 : index
    %get3A_1 = arith.constant 0 : index
    %get3A_2 = vector.load %arg2[%get3A, %get3A_0, %get3A_1] : memref<1x1x2048xf32, #tpu.memory_space<vmem>>, vector<1x1x2048xf32>
    %swap3A = arith.constant 0 : index
    %swap3A_3 = arith.constant 0 : index
    %swap3A_4 = arith.constant 0 : index
    %swap3A_5 = vector.load %arg3[%swap3A, %swap3A_3, %swap3A_4] : memref<1x1x2048xf32, #tpu.memory_space<vmem>>, vector<1x1x2048xf32>
    tpu.vector_store %arg3[%swap3A, %swap3A_3, %swap3A_4], %get3A_2 {strides = array<i32>} : memref<1x1x2048xf32, #tpu.memory_space<vmem>>, vector<1x1x2048xf32>,
    return
  }
  func.func @transform_0(%arg0: i32, %arg1: memref<51200xi32, #tpu.memory_space<smem>>) -> (i32, i32, i32) {
    %get3A = arith.index_cast %arg0 : i32 to index
    %get3A_0 = memref.load %arg1[%get3A] : memref<51200xi32, #tpu.memory_space<smem>>
    %c0_i32 = arith.constant 0 : i32
    %c0_i32_1 = arith.constant 0 : i32
    %c0_i32_2 = arith.constant 0 : i32
    return %get3A_0, %c0_i32, %c0_i32_1 : i32, i32, i32
  }
  func.func @transform_1(%arg0: i32, %arg1: memref<51200xi32, #tpu.memory_space<smem>>) -> (i32, i32, i32) {
    %c0_i32 = arith.constant 0 : i32
    %c0_i32_0 = arith.constant 0 : i32
    %c0_i32_1 = arith.constant 0 : i32
    return %arg0, %c0_i32, %c0_i32_0 : i32, i32, i32
  }
}

</mosaic_0001>

<sc_bundles>
// kernel: sparse-core-data-format-call.1.cloned.1.call-start
scs
called_computation.1_lowered:
.L_overlay_start_0:
0x0: {  	s2 =	sld [smem:$0x3FD9]  }
0x1: {  	s3 =	sld [smem:$0x3FFE];
	_ =	sdelay $0x1  }
0x2: {  	s1 =	srdreg.scid  }
0x3: {  	s0 =	sand.u32 $0x1, s1  }
0x4: {  	s16 =	sshll.u32 s0, $0xA;
	s2 =	sadd.s32 s3, s2  }
0x5: {  	s2 =	sadd.s32 s2, s16  }
0x6: {  	[smem:$0x3FBF] =	sst s2  }
0x7: {  	_ = 	snop  }
0x8: {  	s2 =	sld [smem:$0x3FD0];
	_ =	sdelay $0x2  }
0x9: {  	s17 =	simm.s32 $0xB;
	s4 =	simm.s32 $0x10  }
0xa: {  	[smem:s4], [sflag:s17] =	dma.local [hbm:s2], $0x1  }
0xb: {  	_ =	swait.eq [sflag:s17], $0x1  }
0xc: {  	[sflag:s17] =	ssyncset.done $0x0  }
0xd: {  	[sflag:s17] =	ssyncadd.s32 $0xFFFFFFFF  }
0xe: {  	s18 =	sld [smem:$0x10];
	(tm) =	ssettm $0x1  }
0xf: {  	s19 =	sld [smem:$0x3FFB];
	_ =	sdelay $0x3  }
0x10: {  	_ =	strace s19  }
0x11: {  	s2 =	sld [smem:$0x3FFC];
	_ =	sdelay $0x3  }
0x12: {  	_ =	strace s2  }
0x13: {  	s2 =	sld [smem:$0x3FFD];
	_ =	sdelay $0x3  }
0x14: {  	_ =	strace s2  }
0x15: {  	_ =	strace $0x8FFFFFFF  }
0x16: {  	s20 =	sld [smem:$0x3FDB];
	_ =	sdelay $0x1  }
0x17: {  	s21 =	simm.s32 $_scs_section_size  }
0x18: {  	s5 =	simm.s32 $_size__tile_overlayer_lowered;
	s6 =	simm.s32 $_tile_overlayer_lowered  }
0x19: {  	s7 =	simm.s32 $0x1BFF;
	s22 =	sshll.u32 s6, $0x1;
	s4 =	sadd.s32 s21, s20  }
0x1a: {  	s23 =	simm.s32 $0x0;
	s5 =	sshll.u32 s5, $0x1;
	s6 =	sadd.s32 s22, s4  }
0x1b: {  	[timem:s23], [sflag:s7] =	dma.local [hbm:s6], s5  }
0x1c: {  	_ =	swait.ge [sflag:s7], s5  }
0x1d: {  	s5 =	ssub.s32 $0x0, s5;
	[sflag:s7] =	ssyncset.done $0x0  }
0x1e: {  	[sflag:s7] =	ssyncadd.s32 s5;
	_ =	sdelay $0x1  }
0x1f: {  	s24 =	simm.s32 $0x1B8B  }
0x20: {  	_ =	swait.ge [sflag:s24], $0x1  }
0x21: {  	[sflag:s24] =	ssyncset.done $0x0  }
0x22: {  	[sflag:s24] =	ssyncadd.s32 $0xFFFFFFFF  }
0x23: {  	s5 =	sld [smem:$0x0]  }
0x24: {  	s6 =	sand.u32 $0xFFFFFFFE, s1  }
0x25: {  	p0 =	sne.s32 s1, s6  }
0x26: {  	s6 =	sshll.u32 @p0 s6, $0xE  }
0x27: {  	s6 =	sadd.s32 @p0 $0x11B8D, s6;
	s7 =	sshll.u32 @p0 s5, $0x11  }
0x28: {  	s6 =	sor.u32 @p0 s7, s6  }
0x29: {  	[sflag:s6] =	ssyncadd.remote.s32 @p0 $0x1;
	_ =	sdelay $0x1  }
0x2a: {  	s6 =	simm.s32 @p0 $0x1B8D  }
0x2b: {  	_ =	swait.eq @p0 [sflag:s6], $0x1  }
0x2c: {  	[sflag:s6] =	ssyncadd.s32 @p0 $0xFFFFFFFF  }
0x2d: {  	s7 =	sshll.u32 @!p0 s1, $0xE  }
0x2e: {  	s7 =	sor.u32 @!p0 $0x4000, s7;
	s6 =	simm.s32 @!p0 $0x1B8D  }
0x2f: {  	s5 =	sshll.u32 @!p0 s5, $0x11;
	s7 =	sadd.s32 @!p0 $0x11B8D, s7;
	_ =	swait.eq @!p0 [sflag:s6], $0x1  }
0x30: {  	s5 =	sor.u32 @!p0 s5, s7;
	[sflag:s6] =	ssyncadd.s32 @!p0 $0xFFFFFFFF  }
0x31: {  	s26 =	simm.s32 $0x1B8E;
	s25 =	sld [smem:$0x3FFE];
	[sflag:s5] =	ssyncadd.remote.s32 @!p0 $0x1  }
0x32: {  	s27 =	simm.s32 $execute0_lowered;
	[smem:$0x3FD2] =	sst s26  }
0x33: {  	s6 =	sshll.u32 s27, $0x1;
	_ =	strace $0x80000049;
	[dreg:$0x1] =	wrdreg $0xFFFFFFFF  }
0x34: {  	s28 =	simm.s32 $_size_execute0_lowered;
	s4 =	sadd.s32 s4, s6;
	[dreg:$0x0] =	wrdreg $0x0  }
0x35: {  	s6 =	sshll.u32 s28, $0x1;
	[dreg:$0x2] =	wrdreg s4  }
0x36: {  	[dreg:$0x3] =	wrdreg s6  }
0x37: {  	[dreg:$0x4] =	wrdreg $0xC0  }
0x38: {  	_ =	task [dreg:s23], $0x5FFFF  }
0x39: {  	[dreg:$0x1] =	wrdreg $0xFFFFFFFF  }
0x3a: {  	[dreg:$0x0] =	wrdreg $0x60  }
0x3b: {  	[dreg:$0x2] =	wrdreg s25  }
0x3c: {  	[dreg:$0x3] =	wrdreg s18  }
0x3d: {  	[dreg:$0x4] =	wrdreg $0xA  }
0x3e: {  	_ =	task.clear_ibuf [dreg:s23], $0x5FFFF;
	_ =	strace $0x90000049  }
0x3f: {  	s29 =	simm.s32 $0xA;
	_ =	strace $0x8000004B  }
0x40: {  	_ =	swait.ge [sflag:s29], $0x1  }
0x41: {  	[sflag:s29] =	ssyncadd.s32 $0xFFFFFFFF  }
0x42: {  	_ =	strace $0x9000004B  }
0x43: {  	_ =	sfence  }
0x44: {  	s30 =	sld [smem:$0x0];
	_ =	sdelay $0x2  }
0x45: {  	s31 =	sshll.u32 s1, $0xD;
	s1 =	sshrl.u32 s1, $0x2  }
0x46: {  	s4 =	sand.u32 $0x4000, s31;
	s1 =	sadd.s32 s1, s30  }
0x47: {  	s0 =	sor.u32 s4, s0;
	s1 =	sshll.u32 s1, $0x11  }
0x48: {  	s0 =	sor.u32 s1, s0  }
0x49: {  	s0 =	sadd.s32 $0x8F2B, s0  }
0x4a: {  	[sflag:s0] =	ssyncadd.remote.s32 $0x1  }
0x4b: {  	_ =	sfence.sel $0xFFFF  }
0x4c: {  	[dreg:$0x0] =	wrdreg $0xFFFFFFFF;
	(pc) =	sbr.abs _section_cstart, $3  }
0x4d: {  	[dreg:$0x1] =	wrdreg $0xFFFFFFFF  }
0x4e: {  	_ =	task.clear_ibuf [dreg:s23], $0x2FFFF;
	_ =	strace $0x9FFFFFFF  }
0x4f: {  	(tm) =	ssettm $0x7FFFFFFF  }
tec
execute0_lowered:
.L_overlay_start_1:
0x0: {  	(tag) =	ssettag $0x1  }
0x1: {  	s0 =	stileid.u32;
	s1 =	srdreg.scid  }
0x2: {  	s2 =	sshll.u32 s0, $0x7;
	s3 =	sshll.u32 s0, $0x4;
	s4 =	sshll.u32 s1, $0x8  }
0x3: {  	s7 =	rddreg [dreg:$0x0];
	s1 =	sand.u32 $0x380, s2;
	s29 =	sor.u32 s3, s4  }
0x4: {  	s8 =	simm.s32 $0x2;
	s2 =	sand.u32 $0x180, s29;
	s30 =	ssub.s32 $0x400, s1  }
0x5: {  	s15 =	simm.s32 $0x0;
	s31 =	sand.u32 $0x380, s30;
	s5 =	ssub.s32 $0x800, s2  }
0x6: {  	s4 =	simm.s32 $0x1;
	p0 =	sne.s32 s31, $0x0;
	s6 =	sand.u32 $0x180, s5  }
0x7: {  	s4 =	simm.s32 @!p0 $0x0;
	p0 =	sne.s32 s6, $0x0;
	s6 =	simm.s32 $0x1  }
0x8: {  	s3 =	sshrl.u32 s30, $0xA;
	s5 =	sshrl.u32 s5, $0x9;
	s6 =	simm.s32 @!p0 $0x0  }
0x9: {  	s9 =	simm.s32 $0x4000;
	s3 =	sadd.s32 s4, s3;
	s5 =	sadd.s32 s6, s5  }
0xa: {  	s10 =	simm.s32 $0x0;
	s16 =	simm.s32 $0x0;
	s6 =	smul.u32 s5, s3  }
.Ltmp0:
0xb: {  	s17 =	simm.s32 $0x0;
	s4 =	rddreg [dreg:$0x1];
	(pc) =	sbr.rel .LBB1_1-.Ltmp0, $4  }
0xc: {  	s12 =	simm.s32 $0x0;
	s14 =	simm.s32 $0x0;
	s3 =	rddreg [dreg:$0x2]  }
0xd: {  	_ =	strace $0x8000004A;
	s5 =	simm.s32 $0x1;
	s6 =	smul.u32 $0x32, s6  }
0xe: {  	s7 =	sadd.s32 $0xDC1400, s7;
	s13 =	smov.u32 s1;
	[sflag:s5] =	ssyncpa.u1 $0x0  }
0xf: {  	s11 =	smov.u32 s2;
	[sflag:s8] =	ssyncpa.u1 $0x0;
	s8 =	sor.u32 $0x1, s6  }
.LBB1_4:
0x10: {  	_ =	sdelay $0x3  }
0x11: {  	[tilespmem:v0+s20+$0xFFFFFFD0 ss:$0x1] =	vst.idx.msk $0xffff, v6  }
0x12: {  	v56 =	vld.idx.msk [tilespmem:v1+s19+$0x0 ss:$0x1], $0xffff;
	[tilespmem:v0+s20+$0xFFFFFFE0 ss:$0x1] =	vst.idx.msk $0xffff, v4  }
0x13: {  	v57 =	vld.idx.msk [tilespmem:v1+s19+$0xFFFFFF90 ss:$0x1], $0xffff;
	[tilespmem:v0+s20+$0xFFFFFFF0 ss:$0x1] =	vst.idx.msk $0xffff, v2  }
0x14: {  	v58 =	vld.idx.msk [tilespmem:v1+s19+$0xFFFFFFA0 ss:$0x1], $0xffff;
	[tilespmem:v0+s20+$0x0 ss:$0x1] =	vst.idx.msk $0xffff, v3  }
0x15: {  	v59 =	vld.idx.msk [tilespmem:v1+s19+$0xFFFFFFB0 ss:$0x1], $0xffff;
	[tilespmem:v0+s20+$0x10 ss:$0x1] =	vst.idx.msk $0xffff, v5  }
0x16: {  	v60 =	vld.idx.msk [tilespmem:v1+s19+$0xFFFFFFC0 ss:$0x1], $0xffff;
	[tilespmem:v0+s20+$0x20 ss:$0x1] =	vst.idx.msk $0xffff, v7  }
0x17: {  	v61 =	vld.idx.msk [tilespmem:v1+s19+$0xFFFFFFD0 ss:$0x1], $0xffff;
	[tilespmem:v0+s19+$0x30 ss:$0x1] =	vst.idx.msk $0xffff, v56  }
0x18: {  	v62 =	vld.idx.msk [tilespmem:v1+s19+$0xFFFFFFE0 ss:$0x1], $0xffff;
	s27 =	sand.u32 $0x78, s15;
	s21 =	sshll.u32 s17, $0xB;
	s28 =	sshll.u32 s17, $0x7;
	[tilespmem:v0+s19+$0xFFFFFFC0 ss:$0x1] =	vst.idx.msk $0xffff, v57  }
0x19: {  	v63 =	vld.idx.msk [tilespmem:v1+s19+$0xFFFFFFF0 ss:$0x1], $0xffff;
	s22 =	sshll.u32 s15, $0x3;
	s16 =	sshll.u32 s16, $0x12;
	s21 =	sand.u32 $0x1FC000, s21;
	[tilespmem:v0+s19+$0xFFFFFFD0 ss:$0x1] =	vst.idx.msk $0xffff, v58  }
0x1a: {  	s31 =	sand.u32 $0x7, s15;
	s17 =	sand.u32 $0x380, s28;
	s29 =	sadd.s32 s21, s22;
	[tilespmem:v0+s19+$0xFFFFFFE0 ss:$0x1] =	vst.idx.msk $0xffff, v59  }
0x1b: {  	s30 =	sand.u32 $0x400, s22;
	s17 =	sor.u32 s17, s27;
	s20 =	sshrl.u32 s29, $0x3;
	[tilespmem:v0+s19+$0xFFFFFFF0 ss:$0x1] =	vst.idx.msk $0xffff, v60  }
0x1c: {  	s16 =	sadd.s32 s4, s16;
	s17 =	sor.u32 s30, s17;
	s20 =	sand.u32 $0x3FF00, s20;
	[tilespmem:v0+s19+$0x0 ss:$0x1] =	vst.idx.msk $0xffff, v61  }
0x1d: {  	s15 =	sshll.u32 s31, $0x12;
	s17 =	sshrl.u32 s17, $0x3;
	[tilespmem:v0+s19+$0x10 ss:$0x1] =	vst.idx.msk $0xffff, v62;
	s16 =	sadd.s32 s20, s16  }
0x1e: {  	s15 =	sor.u32 $0x400, s15;
	[tilespmem:v0+s19+$0x20 ss:$0x1] =	vst.idx.msk $0xffff, v63;
	s16 =	sadd.s32 s17, s16  }
0x1f: {  	[hbm4b:s16+s15] =	stream.strided.scatter [tilespmem:s18], [sflag:$0x2], $0x4000, s9, s15, $0x38;
	[tilespmem:$0x10000] =	vst v63  }
.LBB1_5:
0x20: {  	s18 =	sadd.s32 $0x200, s11  }
0x21: {  	s15 =	simm.s32 $0x1;
	p1 =	sgt.s32 s18, $0x7FF  }
0x22: {  	s15 =	simm.s32 @!p1 $0x0  }
0x23: {  	s19 =	sadd.s32 s15, s12  }
0x24: {  	s21 =	smov.u32 s13;
	s15 =	sadd.s32 $0x400, s13;
	p2 =	sgt.s32 s19, $0x31  }
0x25: {  	s21 =	smov.u32 @p2 s15  }
0x26: {  	p0 =	slt.u32 s14, $0x2;
	s18 =	smov.u32 @p1 s2;
	p1 =	sgt.s32 s21, $0x3FF  }
0x27: {  	s20 =	simm.s32 @!p0 $0x2;
	s21 =	smov.u32 @p1 s1;
	p1 =	sne.s32 s14, s8  }
.Ltmp1:
0x28: {  	_ =	swait.ge @!p0 [sflag:s20], $0x4000;
	(pc) =	sbr.rel @!p1 .LBB1_6-.Ltmp1, $4  }
0x29: {  	s16 =	smov.u32 s12;
	[sflag:s20] =	ssyncset.done @!p0 $0x0  }
0x2a: {  	s17 =	smov.u32 s13;
	s10 =	sadd.s32 $0x4000, s10;
	[sflag:s20] =	ssyncadd.s32 @!p0 $0xFFFFC000  }
0x2b: {  	s19 =	simm.s32 @p2 $0x0;
	s15 =	smov.u32 s11;
	s11 =	smov.u32 s18  }
0x2c: {  	s12 =	smov.u32 s19;
	s14 =	sadd.s32 $0x1, s14;
	s13 =	smov.u32 s21  }
.LBB1_1:
0x2d: {  	p0 =	sge.u32 s14, s6  }
0x2e: {  	s18 =	sshll.u32 @!p0 s12, $0xB  }
0x2f: {  	s19 =	sshll.u32 @!p0 s11, $0x3;
	s18 =	sand.u32 @!p0 $0xFFFFC000, s18  }
0x30: {  	s18 =	sadd.s32 @!p0 s18, s19  }
0x31: {  	s31 =	sadd.s32 $0xFFFFFFFF, s14;
	s22 =	sshll.u32 @!p0 s12, $0x7;
	s18 =	sshrl.u32 @!p0 s18, $0xB  }
0x32: {  	s23 =	sand.u32 @!p0 $0x78, s11;
	s22 =	sand.u32 @!p0 $0x380, s22;
	s21 =	smulhi.u32 @!p0 $0x4924925, s18  }
0x33: {  	s20 =	sxor.u32 @!p0 $0xFFFFFFFF, s14;
	s22 =	sor.u32 @!p0 s22, s23;
	s23 =	smul.u32 @!p0 $0x3800, s13  }
0x34: {  	s20 =	sshll.u32 @!p0 s20, $0xE;
	s19 =	sand.u32 @!p0 $0x400, s19;
	s21 =	smul.u32 @!p0 $0x38, s21  }
0x35: {  	s20 =	sand.u32 @!p0 $0x4000, s20;
	s19 =	sor.u32 @!p0 s19, s22;
	s22 =	sand.u32 @!p0 $0x7, s11  }
0x36: {  	s19 =	sshrl.u32 @!p0 s19, $0x3;
	s18 =	ssub.s32 @!p0 s18, s21;
	s21 =	sadd.s32 @!p0 s7, s23  }
0x37: {  	s18 =	sshll.u32 @!p0 s18, $0x8;
	s19 =	sadd.s32 @!p0 s19, s21;
	s21 =	sshll.u32 @!p0 s22, $0x12  }
0x38: {  	s18 =	sadd.s32 @!p0 s18, s19;
	s19 =	sor.u32 @!p0 $0x80, s21;
	s21 =	simm.s32 @!p0 $0x1C000  }
0x39: {  	[tilespmem:s20], [sflag:$0x1] =	stream.strided.gather @!p0 [hbm4b:s18+s19], $0x4000, s21, s19, $0x38;
	[tilespmem:$0x10000] =	vst v63  }
0x3a: {  	p0 =	sge.u32 s31, s6  }
.Ltmp2:
0x3b: {  	_ = 	snop;
	(pc) =	sbr.rel @p0 .LBB1_5-.Ltmp2, $1  }
0x3c: {  	_ =	sdelay $0x3  }
0x3d: {  	s18 =	sand.u32 $0x4000, s10  }
0x3e: {  	s19 =	sor.u32 $0x70, s18  }
0x3f: {  	v1 =	vmov s19;
	_ =	sdelay $0x1  }
0x40: {  	_ =	swait.ge [sflag:s5], $0x4000  }
0x41: {  	[sflag:s5] =	ssyncset.done $0x0  }
0x42: {  	s20 =	simm.s32 $0x0;
	[sflag:s5] =	ssyncadd.s32 $0xFFFFC000  }
0x43: {  	s18 =	sor.u32 $0x8040, s18;
	v7 =	vld.idx.msk [tilespmem:v1+s20+$0x0 ss:$0x1], $0xffff  }
0x44: {  	v0 =	vmov s18;
	v8 =	vld.idx.msk [tilespmem:v1+s20+$0xFFFFFF90 ss:$0x1], $0xffff  }
0x45: {  	v6 =	vld.idx.msk [tilespmem:v1+s20+$0xFFFFFFA0 ss:$0x1], $0xffff  }
0x46: {  	v4 =	vld.idx.msk [tilespmem:v1+s20+$0xFFFFFFB0 ss:$0x1], $0xffff  }
0x47: {  	v2 =	vld.idx.msk [tilespmem:v1+s20+$0xFFFFFFC0 ss:$0x1], $0xffff  }
0x48: {  	s31 =	sshll.u32 s14, $0xE;
	v3 =	vld.idx.msk [tilespmem:v1+s20+$0xFFFFFFD0 ss:$0x1], $0xffff  }
0x49: {  	s18 =	sand.u32 $0x4000, s31;
	v5 =	vld.idx.msk [tilespmem:v1+s20+$0xFFFFFFE0 ss:$0x1], $0xffff;
	[tilespmem:v0+s20+$0x30 ss:$0x1] =	vst.idx.msk $0xffff, v7  }
0x4a: {  	s21 =	simm.s32 $0x400;
	s19 =	simm.s32 $0x80;
	s18 =	sor.u32 $0x8000, s18;
	[tilespmem:v0+s20+$0xFFFFFFC0 ss:$0x1] =	vst.idx.msk $0xffff, v8;
	v7 =	vld.idx.msk [tilespmem:v1+s20+$0xFFFFFFF0 ss:$0x1], $0xffff  }
.LBB1_3:
0x4b: {  	p0 =	sne.s32 s21, $0xFE00;
	v8 =	vld.idx.msk [tilespmem:v1+s19+$0x0 ss:$0x1], $0xffff;
	[tilespmem:v0+s20+$0xFFFFFFD0 ss:$0x1] =	vst.idx.msk $0xffff, v6  }
0x4c: {  	v9 =	vld.idx.msk [tilespmem:v1+s19+$0xFFFFFF90 ss:$0x1], $0xffff;
	[tilespmem:v0+s20+$0xFFFFFFE0 ss:$0x1] =	vst.idx.msk $0xffff, v4  }
0x4d: {  	v6 =	vld.idx.msk [tilespmem:v1+s19+$0xFFFFFFA0 ss:$0x1], $0xffff;
	[tilespmem:v0+s20+$0xFFFFFFF0 ss:$0x1] =	vst.idx.msk $0xffff, v2  }
.Ltmp3:
0x4e: {  	v4 =	vld.idx.msk [tilespmem:v1+s19+$0xFFFFFFB0 ss:$0x1], $0xffff;
	[tilespmem:v0+s20+$0x0 ss:$0x1] =	vst.idx.msk $0xffff, v3;
	(pc) =	sbr.rel @p0 .LBB1_3-.Ltmp3, $4  }
0x4f: {  	v2 =	vld.idx.msk [tilespmem:v1+s19+$0xFFFFFFC0 ss:$0x1], $0xffff;
	[tilespmem:v0+s20+$0x10 ss:$0x1] =	vst.idx.msk $0xffff, v5  }
0x50: {  	v3 =	vld.idx.msk [tilespmem:v1+s19+$0xFFFFFFD0 ss:$0x1], $0xffff;
	[tilespmem:v0+s20+$0x20 ss:$0x1] =	vst.idx.msk $0xffff, v7;
	s20 =	smov.u32 s19  }
0x51: {  	v5 =	vld.idx.msk [tilespmem:v1+s20+$0xFFFFFFE0 ss:$0x1], $0xffff;
	[tilespmem:v0+s20+$0x30 ss:$0x1] =	vst.idx.msk $0xffff, v8  }
0x52: {  	s19 =	sshra.s32 s21, $0x2;
	s21 =	sadd.s32 $0x200, s21;
	[tilespmem:v0+s20+$0xFFFFFFC0 ss:$0x1] =	vst.idx.msk $0xffff, v9;
	v7 =	vld.idx.msk [tilespmem:v1+s20+$0xFFFFFFF0 ss:$0x1], $0xffff  }
.Ltmp4:
0x53: {  	_ = 	snop;
	(pc) =	sbr.rel .LBB1_4-.Ltmp4, $1  }
0x54: {  	_ =	sdelay $0x3  }
.LBB1_6:
0x55: {  	_ =	sfence.sel $0x180000  }
0x56: {  	s1 =	simm.s32 $0x1;
	[bflag:$0x0] =	sbarrier.arrive $0xFFFF  }
0x57: {  	s31 =	simm.s32 $0x2;
	[sflag:s1] =	ssyncpa.u1 $0x1  }
0x58: {  	[sflag:s31] =	ssyncpa.u1 $0x1  }
0x59: {  	p0 =	sne.s32 s0, $0x0;
	_ =	strace $0x9000004A  }
0x5a: {  	s0 =	sadd.s32 @!p0 $0x100000, s3;
	[bflag:$0x2] =	sbarrier.arrive $0xFFFF  }
0x5b: {  	[sflag:s0] =	ssyncadd.tile.s32 @!p0 $0x1;
	_ =	shalt  }
.Lfunc_end1:
_tile_overlayer_lowered:
.L_overlay_start_2:
0x5c: {  	(tag) =	ssettag $0x2  }
0x5d: {  	s0 =	rddreg [dreg:$0x0];
	s2 =	stileid.u32  }
0x5e: {  	s1 =	rddreg [dreg:$0x1];
	p0 =	sne.s32 s2, $0x0  }
0x5f: {  	s3 =	rddreg [dreg:$0x2];
	[bflag:$0x3] =	sbarrier.arrive $0xFFFF;
	s2 =	simm.s32 @!p0 $0x1C01  }
0x60: {  	[timem:s3], [sflag:s2] =	dma.local @!p0 [hbm:s0], s1  }
0x61: {  	s0 =	simm.s32 @!p0 $0x1  }
0x62: {  	_ =	swait.ge @!p0 [sflag:s0], s1  }
0x63: {  	s1 =	ssub.s32 @!p0 $0x0, s1;
	[sflag:s0] =	ssyncset.done @!p0 $0x0  }
0x64: {  	[sflag:s0] =	ssyncadd.s32 @!p0 s1  }
0x65: {  	[bflag:$0x3] =	sbarrier.arrive $0xFFFF  }
0x66: {  	_ =	shalt  }

// kernel: sparse-core-data-format-call.cloned.1.call-start
scs
called_computation_lowered:
.L_overlay_start_0:
0x0: {  	s2 =	sld [smem:$0x3FD9]  }
0x1: {  	s3 =	sld [smem:$0x3FFE];
	_ =	sdelay $0x1  }
0x2: {  	s1 =	srdreg.scid  }
0x3: {  	s0 =	sand.u32 $0x1, s1  }
0x4: {  	s15 =	sshll.u32 s0, $0xA;
	s2 =	sadd.s32 s3, s2  }
0x5: {  	s2 =	sadd.s32 s2, s15  }
0x6: {  	[smem:$0x3FBF] =	sst s2  }
0x7: {  	_ = 	snop  }
0x8: {  	s2 =	sld [smem:$0x3FD0];
	_ =	sdelay $0x2  }
0x9: {  	s16 =	simm.s32 $0xB;
	s4 =	simm.s32 $0x10  }
0xa: {  	[smem:s4], [sflag:s16] =	dma.local [hbm:s2], $0x1  }
0xb: {  	_ =	swait.eq [sflag:s16], $0x1  }
0xc: {  	[sflag:s16] =	ssyncset.done $0x0  }
0xd: {  	[sflag:s16] =	ssyncadd.s32 $0xFFFFFFFF  }
0xe: {  	s17 =	sld [smem:$0x11];
	(tm) =	ssettm $0x1  }
0xf: {  	s18 =	sld [smem:$0x3FFB];
	_ =	sdelay $0x3  }
0x10: {  	_ =	strace s18  }
0x11: {  	s3 =	sld [smem:$0x3FFC];
	_ =	sdelay $0x3  }
0x12: {  	_ =	strace s3  }
0x13: {  	s3 =	sld [smem:$0x3FFD];
	_ =	sdelay $0x3  }
0x14: {  	_ =	strace s3  }
0x15: {  	_ =	strace $0x8FFFFFFF  }
0x16: {  	s19 =	sld [smem:$0x3FDB];
	_ =	sdelay $0x1  }
0x17: {  	s20 =	simm.s32 $_scs_section_size  }
0x18: {  	s5 =	simm.s32 $_size__tile_overlayer_lowered;
	s6 =	simm.s32 $_tile_overlayer_lowered  }
0x19: {  	s23 =	simm.s32 $0x1BFF;
	s22 =	sshll.u32 s6, $0x1;
	s3 =	sadd.s32 s20, s19  }
0x1a: {  	s7 =	simm.s32 $0x0;
	s21 =	sshll.u32 s5, $0x1;
	s5 =	sadd.s32 s22, s3  }
0x1b: {  	[timem:s7], [sflag:s23] =	dma.local [hbm:s5], s21  }
0x1c: {  	_ =	swait.ge [sflag:s23], s21  }
0x1d: {  	s4 =	ssub.s32 $0x0, s21;
	[sflag:s23] =	ssyncset.done $0x0  }
0x1e: {  	[sflag:s23] =	ssyncadd.s32 s4;
	_ =	sdelay $0x1  }
0x1f: {  	s24 =	simm.s32 $0x1B8B  }
0x20: {  	_ =	swait.ge [sflag:s24], $0x1  }
0x21: {  	[sflag:s24] =	ssyncset.done $0x0  }
0x22: {  	s26 =	simm.s32 $0x1B8E;
	s25 =	sld [smem:$0x3FFE];
	[sflag:s24] =	ssyncadd.s32 $0xFFFFFFFF  }
0x23: {  	s27 =	simm.s32 $execute0_lowered;
	[smem:$0x3FD2] =	sst s26  }
0x24: {  	s5 =	sshll.u32 s27, $0x1;
	_ =	strace $0x80000046;
	[dreg:$0x1] =	wrdreg $0xFFFFFFFF  }
0x25: {  	s28 =	simm.s32 $_size_execute0_lowered;
	s3 =	sadd.s32 s3, s5;
	[dreg:$0x0] =	wrdreg $0x0  }
0x26: {  	s5 =	sshll.u32 s28, $0x1;
	[dreg:$0x2] =	wrdreg s3  }
0x27: {  	[dreg:$0x3] =	wrdreg s5  }
0x28: {  	[dreg:$0x4] =	wrdreg $0xC0  }
0x29: {  	_ =	task [dreg:s7], $0x5FFFF  }
0x2a: {  	[dreg:$0x1] =	wrdreg $0xFFFFFFFF  }
0x2b: {  	[dreg:$0x0] =	wrdreg $0x60  }
0x2c: {  	[dreg:$0x2] =	wrdreg s25  }
0x2d: {  	[dreg:$0x3] =	wrdreg s17  }
0x2e: {  	[dreg:$0x4] =	wrdreg $0x9  }
0x2f: {  	_ =	task.clear_ibuf [dreg:s7], $0x5FFFF;
	_ =	strace $0x90000046  }
0x30: {  	s29 =	simm.s32 $0x9;
	_ =	strace $0x80000048  }
0x31: {  	_ =	swait.ge [sflag:s29], $0x1  }
0x32: {  	[sflag:s29] =	ssyncadd.s32 $0xFFFFFFFF  }
0x33: {  	_ =	strace $0x90000048  }
0x34: {  	_ =	sfence  }
0x35: {  	s30 =	sld [smem:$0x0];
	_ =	sdelay $0x2  }
0x36: {  	s31 =	sshll.u32 s1, $0xD;
	s1 =	sshrl.u32 s1, $0x2  }
0x37: {  	s3 =	sand.u32 $0x4000, s31;
	s1 =	sadd.s32 s1, s30  }
0x38: {  	s0 =	sor.u32 s3, s0;
	s1 =	sshll.u32 s1, $0x11  }
0x39: {  	s0 =	sor.u32 s1, s0  }
0x3a: {  	s0 =	sadd.s32 $0x8F2B, s0  }
0x3b: {  	[sflag:s0] =	ssyncadd.remote.s32 $0x1  }
0x3c: {  	_ =	sfence.sel $0xFFFF  }
0x3d: {  	[dreg:$0x0] =	wrdreg $0xFFFFFFFF;
	(pc) =	sbr.abs _section_cstart, $3  }
0x3e: {  	[dreg:$0x1] =	wrdreg $0xFFFFFFFF  }
0x3f: {  	_ =	task.clear_ibuf [dreg:s7], $0x2FFFF;
	_ =	strace $0x9FFFFFFF  }
0x40: {  	(tm) =	ssettm $0x7FFFFFFF  }
0x41: {  	_ =	shalt  }
tec
execute0_lowered:
.L_overlay_start_1:
0x0: {  	(tag) =	ssettag $0x1  }
0x1: {  	s0 =	stileid.u32  }
0x2: {  	s2 =	srdreg.scid;
	s7 =	rddreg [dreg:$0x0]  }
0x3: {  	s6 =	simm.s32 $0x1;
	s31 =	simm.s32 $0x2;
	s16 =	simm.s32 $0x0  }
0x4: {  	s9 =	simm.s32 $0x2000;
	s15 =	simm.s32 $0x0;
	s10 =	simm.s32 $0x0  }
0x5: {  	s11 =	simm.s32 $0x0;
	s14 =	simm.s32 $0x0;
	s1 =	sshll.u32 s0, $0x7  }
0x6: {  	s3 =	sshll.u32 s0, $0x4;
	s2 =	sshll.u32 s2, $0x8;
	s1 =	sand.u32 $0x380, s1  }
0x7: {  	s7 =	sadd.s32 $0x1400, s7;
	s2 =	sor.u32 s3, s2;
	s5 =	ssub.s32 $0x400, s1  }
0x8: {  	s3 =	rddreg [dreg:$0x1];
	s4 =	sand.u32 $0x180, s2;
	s29 =	sand.u32 $0x380, s5  }
0x9: {  	s30 =	ssub.s32 $0x2700, s4;
	s5 =	sshrl.u32 s5, $0xA;
	p0 =	sne.s32 s29, $0x0  }
.Ltmp0:
0xa: {  	s8 =	sshrl.u32 s30, $0x9;
	s6 =	simm.s32 @!p0 $0x0;
	(pc) =	sbr.rel .LBB1_1-.Ltmp0, $4  }
0xb: {  	s2 =	rddreg [dreg:$0x2];
	s8 =	sadd.s32 $0x1, s8;
	s6 =	sadd.s32 s6, s5  }
0xc: {  	_ =	strace $0x80000047;
	s5 =	simm.s32 $0x1;
	s6 =	smul.u32 s6, s8  }
0xd: {  	s13 =	smov.u32 s1;
	s12 =	smov.u32 s4;
	[sflag:s5] =	ssyncpa.u1 $0x0  }
0xe: {  	p0 =	por $0x0, $0x0;
	[sflag:s31] =	ssyncpa.u1 $0x0;
	s8 =	sadd.s32 $0x1, s6  }
.LBB1_4:
0xf: {  	s21 =	sshra.s32 s21, $0x2;
	s27 =	sshll.u32 s10, $0xA;
	s22 =	sshll.u32 s11, $0x3  }
0x10: {  	s23 =	sshll.u32 s10, $0x7;
	s24 =	sand.u32 $0x78, s11;
	p1 =	sgt.s32 s10, $0x2690  }
0x11: {  	s25 =	sshra.s32 s10, $0x1F;
	s26 =	sshra.s32 s11, $0x1F;
	s20 =	sadd.s32 s21, s20  }
0x12: {  	v5 =	vld [tilespmem:s18+$0xFFFFFFD0];
	[tilespmem:s19+$0x2040 ss:$0x81] =	vst.msk $0xffff, v4;
	s21 =	sand.u32 $0xFFFFE000, s27;
	s22 =	sand.u32 $0xFFFFFC00, s22;
	s28 =	sand.u32 $0x380, s23  }
0x13: {  	v58 =	vld [tilespmem:s18+$0xFFFFFFE0];
	[tilespmem:s19+$0x2850 ss:$0x81] =	vst.msk $0xffff, v3;
	s23 =	smov.u32 s10;
	s30 =	sand.u32 s25, s10;
	s25 =	smov.u32 s11  }
0x14: {  	v59 =	vld [tilespmem:s18+$0xFFFFFFF0];
	[tilespmem:s19+$0x3060 ss:$0x81] =	vst.msk $0xffff, v2;
	s31 =	sand.u32 s26, s11;
	s21 =	sadd.s32 s22, s21;
	s22 =	sor.u32 s24, s28  }
0x15: {  	v60 =	vld [tilespmem:s18+$0x0];
	[tilespmem:s19+$0x0 ss:$0x81] =	vst.msk $0xffff, v1;
	s23 =	simm.s32 @!p1 $0x2690;
	p1 =	sgt.s32 s11, $0x380;
	s21 =	sshrl.u32 s21, $0xA  }
0x16: {  	v61 =	vld [tilespmem:s18+$0x10];
	[tilespmem:s20+$0x3870 ss:$0x81] =	vst.msk $0xffff, v0;
	s19 =	ssub.s32 s23, s30;
	s25 =	simm.s32 @!p1 $0x380;
	s29 =	smulhi.u32 $0x1A36E3, s21  }
0x17: {  	v62 =	vld [tilespmem:s18+$0x20];
	s23 =	ssub.s32 s25, s31;
	s26 =	sadd.s32 $0xFFFFD970, s19;
	s19 =	ssub.s32 $0x2710, s19;
	[tilespmem:s20+$0x810 ss:$0x81] =	vst.msk $0xffff, v5  }
0x18: {  	v63 =	vld [tilespmem:s18+$0xFFFFFFC0];
	[tilespmem:s20+$0x1020 ss:$0x81] =	vst.msk $0xffff, v58;
	p1 =	sgt.s32 s26, $0x7F;
	s28 =	sadd.s32 $0xFFFFFC80, s23;
	s24 =	sshrl.u32 s29, $0x2  }
0x19: {  	[tilespmem:s20+$0x1830 ss:$0x81] =	vst.msk $0xffff, v59;
	s23 =	ssub.s32 $0x400, s23;
	p2 =	sgt.s32 s28, $0x7F;
	s27 =	smul.u32 $0x2710, s24  }
0x1a: {  	s30 =	sand.u32 $0x7, s11;
	[tilespmem:s20+$0x2040 ss:$0x81] =	vst.msk $0xffff, v60;
	s19 =	simm.s32 @p1 $0x0;
	s23 =	simm.s32 @p2 $0x0  }
0x1b: {  	[tilespmem:s20+$0x2850 ss:$0x81] =	vst.msk $0xffff, v61;
	s29 =	sshrl.u32 s22, $0x3;
	s19 =	smul.u32 s23, s19;
	s18 =	ssub.s32 s21, s27  }
0x1c: {  	[tilespmem:s20+$0x3060 ss:$0x81] =	vst.msk $0xffff, v62;
	s22 =	sshll.u32 s30, $0x12;
	s21 =	sadd.s32 s3, s29;
	s18 =	sshll.u32 s18, $0x7  }
0x1d: {  	[tilespmem:s20+$0x0 ss:$0x81] =	vst.msk $0xffff, v63;
	s31 =	sor.u32 $0x400, s22;
	s19 =	sand.u32 $0x3FFFFFFF, s19;
	s18 =	sadd.s32 s18, s21  }
0x1e: {  	[hbm4b:s18+s31] =	stream.strided.scatter [tilespmem:s17], [sflag:$0x2], s19, s9, s31, $0x20;
	[tilespmem:$0x10100] =	vst v63  }
.LBB1_5:
0x1f: {  	p1 =	slt.u32 s14, $0x2  }
0x20: {  	s18 =	smov.u32 s16;
	p2 =	sgt.s32 @!p1 s16, $0x2690;
	s17 =	sshra.s32 @!p1 s16, $0x1F  }
0x21: {  	p3 =	sgt.s32 @!p1 s15, $0x380;
	s19 =	sshra.s32 @!p1 s15, $0x1F;
	p2 =	por !p2, p1  }
0x22: {  	s16 =	sand.u32 @!p1 s17, s16;
	p3 =	por !p3, p1;
	s17 =	smov.u32 s15  }
0x23: {  	s15 =	sand.u32 @!p1 s19, s15;
	s18 =	simm.s32 @p2 $0x2690;
	s17 =	simm.s32 @p3 $0x380  }
0x24: {  	s16 =	ssub.s32 @!p1 s18, s16;
	s15 =	ssub.s32 @!p1 s17, s15  }
0x25: {  	s19 =	smov.u32 s13;
	s17 =	sadd.s32 @!p1 $0xFFFFD970, s16;
	s18 =	sadd.s32 @!p1 $0xFFFFFC80, s15  }
0x26: {  	s16 =	ssub.s32 @!p1 $0x2710, s16;
	p2 =	sgt.s32 @!p1 s17, $0x7F;
	p3 =	sgt.s32 @!p1 s18, $0x7F  }
0x27: {  	s15 =	ssub.s32 @!p1 $0x400, s15;
	p2 =	por !p2, p1;
	p3 =	por !p3, p1  }
0x28: {  	s17 =	sadd.s32 $0x200, s12;
	s16 =	simm.s32 @!p2 $0x0;
	s15 =	simm.s32 @!p3 $0x0  }
0x29: {  	p2 =	sgt.s32 s17, $0x270F;
	s15 =	smul.u32 @!p1 s15, s16;
	s16 =	sadd.s32 $0x400, s13  }
0x2a: {  	s19 =	smov.u32 @p2 s16  }
0x2b: {  	s17 =	smov.u32 @p2 s4;
	p2 =	sgt.s32 s19, $0x3FF  }
0x2c: {  	s19 =	smov.u32 @p2 s1;
	p2 =	sne.s32 s14, s8  }
.Ltmp1:
0x2d: {  	p0 =	por !p0, !p0;
	s18 =	simm.s32 @!p1 $0x2;
	(pc) =	sbr.rel @!p2 .LBB1_6-.Ltmp1, $4  }
0x2e: {  	s16 =	smov.u32 s10;
	s10 =	smov.u32 s12;
	s15 =	sand.u32 @!p1 $0x3FFFFFFF, s15  }
0x2f: {  	s12 =	smov.u32 s17;
	_ =	swait.ge @!p1 [sflag:s18], s15;
	s20 =	ssub.s32 @!p1 $0x0, s15  }
0x30: {  	s15 =	smov.u32 s11;
	s14 =	sadd.s32 $0x1, s14;
	[sflag:s18] =	ssyncset.done @!p1 $0x0  }
0x31: {  	s11 =	smov.u32 s13;
	s13 =	smov.u32 s19;
	[sflag:s18] =	ssyncadd.s32 @!p1 s20  }
.LBB1_1:
0x32: {  	p1 =	sge.u32 s14, s6  }
0x33: {  	s17 =	sshrl.u32 @!p1 s13, $0x3  }
0x34: {  	s18 =	sshll.u32 @!p1 s12, $0x3;
	s17 =	smul.u32 @!p1 $0x13C00, s17  }
0x35: {  	s19 =	sshll.u32 @!p1 s13, $0x7;
	s18 =	sand.u32 @!p1 $0xFFFFFC00, s18  }
0x36: {  	s17 =	sadd.s32 @!p1 s17, s18;
	s18 =	sand.u32 @!p1 $0x380, s19  }
0x37: {  	s19 =	sand.u32 @!p1 $0x7F, s12;
	s17 =	sor.u32 @!p1 s18, s17  }
0x38: {  	s18 =	sor.u32 @!p1 s19, s17  }
0x39: {  	s19 =	smulhi.u32 @!p1 $0xCF6474A9, s18;
	_ =	sdelay $0x1  }
0x3a: {  	s17 =	smulhi.u32 @!p1 $0xCF6474A9, s17;
	s19 =	sshrl.u32 @!p1 s19, $0xD  }
0x3b: {  	s19 =	smul.u32 @!p1 $0x2780, s19  }
0x3c: {  	s31 =	sadd.s32 $0xFFFFFFFF, s14;
	s20 =	sxor.u32 @!p1 $0xFFFFFFFF, s14;
	s17 =	sshrl.u32 @!p1 s17, $0xD  }
0x3d: {  	s20 =	sshll.u32 @!p1 s20, $0xE;
	s17 =	sand.u32 @!p1 $0x3FF, s17;
	s18 =	ssub.s32 @!p1 s18, s19  }
0x3e: {  	s17 =	smul.u32 @!p1 $0x4F0, s17;
	s19 =	sshrl.u32 @!p1 s18, $0x3;
	s18 =	sand.u32 @!p1 $0x7, s18  }
0x3f: {  	s20 =	sand.u32 @!p1 $0x4000, s20;
	s19 =	sadd.s32 @!p1 s7, s19;
	s18 =	sshll.u32 @!p1 s18, $0x12  }
0x40: {  	s17 =	sadd.s32 @!p1 s17, s19;
	s18 =	sor.u32 @!p1 $0x400, s18;
	s19 =	simm.s32 @!p1 $0x13C00  }
0x41: {  	[tilespmem:s20], [sflag:$0x1] =	stream.strided.gather @!p1 [hbm4b:s17+s18], $0x4000, s19, s18, $0x38;
	[tilespmem:$0x10100] =	vst v63  }
0x42: {  	p1 =	sge.u32 s31, s6  }
.Ltmp2:
0x43: {  	_ = 	snop;
	(pc) =	sbr.rel @p1 .LBB1_5-.Ltmp2, $1  }
0x44: {  	_ =	sdelay $0x3  }
0x45: {  	s17 =	simm.s32 $0x1  }
0x46: {  	_ =	swait.ge [sflag:s5], $0x4000;
	s17 =	simm.s32 @!p0 $0x0  }
0x47: {  	[sflag:s5] =	ssyncset.done $0x0;
	s18 =	sshll.u32 s17, $0xE  }
0x48: {  	[sflag:s5] =	ssyncadd.s32 $0xFFFFC000;
	s18 =	sor.u32 $0x40, s18  }
0x49: {  	s17 =	smul.u32 $0x10200, s17;
	v0 =	vld [tilespmem:s18+$0x30]  }
0x4a: {  	v1 =	vld [tilespmem:s18+$0xFFFFFFD0]  }
0x4b: {  	s17 =	sshrl.u32 s17, $0x2;
	v5 =	vld [tilespmem:s18+$0xFFFFFFE0]  }
0x4c: {  	v6 =	vld [tilespmem:s18+$0xFFFFFFF0];
	s20 =	sor.u32 $0x8000, s17  }
0x4d: {  	s31 =	sand.u32 $0x1, s14;
	v4 =	vld [tilespmem:s18+$0x0];
	s19 =	sadd.s32 $0x0, s20  }
0x4e: {  	v3 =	vld [tilespmem:s18+$0x10];
	s17 =	smul.u32 $0x10200, s31;
	[tilespmem:s19+$0x3870 ss:$0x81] =	vst.msk $0xffff, v0  }
0x4f: {  	v2 =	vld [tilespmem:s18+$0x20];
	[tilespmem:s19+$0x810 ss:$0x81] =	vst.msk $0xffff, v1  }
0x50: {  	s17 =	sshrl.u32 s17, $0x2;
	v1 =	vld [tilespmem:s18+$0xFFFFFFC0];
	[tilespmem:s19+$0x1020 ss:$0x81] =	vst.msk $0xffff, v5;
	s18 =	sadd.s32 $0x80, s18  }
0x51: {  	s21 =	simm.s32 $0x4;
	s22 =	simm.s32 $0x8;
	s17 =	sor.u32 $0x8000, s17;
	[tilespmem:s19+$0x1830 ss:$0x81] =	vst.msk $0xffff, v6;
	v0 =	vld [tilespmem:s18+$0x30]  }
.LBB1_3:
0x52: {  	p1 =	sne.s32 s22, $0x1FC;
	v5 =	vld [tilespmem:s18+$0xFFFFFFD0];
	[tilespmem:s19+$0x2040 ss:$0x81] =	vst.msk $0xffff, v4  }
0x53: {  	v6 =	vld [tilespmem:s18+$0xFFFFFFE0];
	[tilespmem:s19+$0x2850 ss:$0x81] =	vst.msk $0xffff, v3  }
0x54: {  	s23 =	sshra.s32 s21, $0x2;
	s21 =	smov.u32 s22;
	v7 =	vld [tilespmem:s18+$0xFFFFFFF0];
	[tilespmem:s19+$0x3060 ss:$0x81] =	vst.msk $0xffff, v2  }
.Ltmp3:
0x55: {  	v4 =	vld [tilespmem:s18+$0x0];
	[tilespmem:s19+$0x0 ss:$0x81] =	vst.msk $0xffff, v1;
	s19 =	sadd.s32 s23, s20;
	(pc) =	sbr.rel @p1 .LBB1_3-.Ltmp3, $4  }
0x56: {  	v3 =	vld [tilespmem:s18+$0x10];
	[tilespmem:s19+$0x3870 ss:$0x81] =	vst.msk $0xffff, v0  }
0x57: {  	[tilespmem:s19+$0x810 ss:$0x81] =	vst.msk $0xffff, v5;
	v2 =	vld [tilespmem:s18+$0x20]  }
0x58: {  	v1 =	vld [tilespmem:s18+$0xFFFFFFC0];
	[tilespmem:s19+$0x1020 ss:$0x81] =	vst.msk $0xffff, v6;
	s18 =	sadd.s32 $0x80, s18  }
0x59: {  	s22 =	sadd.s32 $0x4, s22;
	v0 =	vld [tilespmem:s18+$0x30];
	[tilespmem:s19+$0x1830 ss:$0x81] =	vst.msk $0xffff, v7  }
.Ltmp4:
0x5a: {  	_ = 	snop;
	(pc) =	sbr.rel .LBB1_4-.Ltmp4, $1  }
0x5b: {  	_ =	sdelay $0x3  }
.LBB1_6:
0x5c: {  	_ =	sfence.sel $0x180000  }
0x5d: {  	s1 =	simm.s32 $0x1;
	[bflag:$0x0] =	sbarrier.arrive $0xFFFF  }
0x5e: {  	s31 =	simm.s32 $0x2;
	[sflag:s1] =	ssyncpa.u1 $0x1  }
0x5f: {  	[sflag:s31] =	ssyncpa.u1 $0x1  }
0x60: {  	p0 =	sne.s32 s0, $0x0;
	_ =	strace $0x90000047  }
0x61: {  	s0 =	sadd.s32 @!p0 $0x100000, s2;
	[bflag:$0x2] =	sbarrier.arrive $0xFFFF  }
0x62: {  	[sflag:s0] =	ssyncadd.tile.s32 @!p0 $0x1;
	_ =	shalt  }
.Lfunc_end1:
_tile_overlayer_lowered:
.L_overlay_start_2:
0x63: {  	(tag) =	ssettag $0x2  }
0x64: {  	s0 =	rddreg [dreg:$0x0];
	s2 =	stileid.u32  }
0x65: {  	s1 =	rddreg [dreg:$0x1];
	p0 =	sne.s32 s2, $0x0  }
0x66: {  	s3 =	rddreg [dreg:$0x2];
	[bflag:$0x3] =	sbarrier.arrive $0xFFFF;
	s2 =	simm.s32 @!p0 $0x1C01  }
0x67: {  	[timem:s3], [sflag:s2] =	dma.local @!p0 [hbm:s0], s1  }
0x68: {  	s0 =	simm.s32 @!p0 $0x1  }
0x69: {  	_ =	swait.ge @!p0 [sflag:s0], s1  }
0x6a: {  	s1 =	ssub.s32 @!p0 $0x0, s1;
	[sflag:s0] =	ssyncset.done @!p0 $0x0  }
0x6b: {  	[sflag:s0] =	ssyncadd.s32 @!p0 s1  }
0x6c: {  	[bflag:$0x3] =	sbarrier.arrive $0xFFFF  }
0x6d: {  	_ =	shalt  }

</sc_bundles>
